<compile_context>
chip_gen: v7x
topology: tpu7x:2x2x1
jax: 0.10.2.dev20260603
libtpu: 0.0.44.dev20260713+nightly
codegen_flags: <defaults>
</compile_context>

<pallas_src>
import functools

import jax
import jax.numpy as jnp
from jax import lax
from jax.experimental import pallas as pl
from jax.experimental.pallas import tpu as pltpu
from jax.experimental.pallas import tpu_sc as plsc

NC = 2
NS = 16
NL = 16
NW = NC * NS
K = 128


def _mesh():
    return plsc.VectorSubcoreMesh(core_axis_name="c", subcore_axis_name="s",
                                  num_cores=NC, num_subcores=NS)


@functools.partial(jax.jit, static_argnames=("R", "C"))
def _prop_call(v, eidx, *, R, C):
    D = v.shape[1]
    RS = R // NS

    @functools.partial(
        pl.kernel,
        out_type=jax.ShapeDtypeStruct((NC, R, D), jnp.float32),
        mesh=_mesh(),
        scratch_types=(
            [pltpu.VMEM_SHARED((R, D), jnp.float32)]
            + [pltpu.VMEM((2, K), jnp.int32)] * 4
            + [pltpu.VMEM((K, D), jnp.float32)] * 2
            + [pltpu.SemaphoreType.DMA] * 8
        ),
    )
    def prop_kernel(v_hbm, eidx_hbm, part_hbm, acc, *bufs):
        ib = bufs[0:4]
        rr = bufs[4:6]
        sg = bufs[6:8]
        sc = bufs[8:10]
        sx = bufs[10:14]
        cid = lax.axis_index("c")
        sid = lax.axis_index("s")
        wid = cid * NS + sid

        def zfill(i, _):
            for c in range(D // NL):
                rr[0][i, pl.ds(c * NL, NL)] = jnp.full((NL,), 0.0, jnp.float32)
            return 0

        lax.fori_loop(0, K, zfill, 0)
        row0 = sid * RS
        for q in range(RS // K):
            pltpu.sync_copy(rr[0], acc.at[pl.ds(row0 + q * K, K)])
        rem = RS % K
        if rem:
            pltpu.sync_copy(rr[0].at[pl.ds(0, rem)],
                            acc.at[pl.ds(row0 + (RS // K) * K, rem)])
        plsc.subcore_barrier()

        def gfire(b, b4):
            pltpu.async_copy(v_hbm.at[ib[b4].at[0]], rr[b], sg[b])

        def gwait(b, b4):
            pltpu.make_async_copy(v_hbm.at[ib[b4].at[0]], rr[b], sg[b]).wait()

        def scfire(b, b4):
            pltpu.async_copy(rr[b], acc.at[ib[b4].at[1]], sc[b], add=True)

        def scwait(b, b4):
            pltpu.make_async_copy(rr[b], acc.at[ib[b4].at[1]], sc[b]).wait()

        def ifire(q, b4):
            pltpu.async_copy(eidx_hbm.at[wid, q], ib[b4], sx[b4])

        def iwait(q, b4):
            pltpu.make_async_copy(eidx_hbm.at[wid, q], ib[b4], sx[b4]).wait()

        for b4 in range(4):
            ifire(b4, b4)

        def body(t4, _):
            for b4 in range(4):
                q = 4 * t4 + b4
                b = b4 % 2

                @pl.when(q >= 2)
                def _(b=b, b4=b4, q=q):
                    scwait(b, (b4 + 2) % 4)
                    @pl.when(q + 2 < C)
                    def _():
                        ifire(q + 2, (b4 + 2) % 4)

                iwait(q, b4)
                gfire(b, b4)

                @pl.when(q >= 1)
                def _(b=b, b4=b4):
                    gwait(1 - b, (b4 + 3) % 4)
                    scfire(1 - b, (b4 + 3) % 4)
            return 0

        lax.fori_loop(0, C // 4, body, 0)
        gwait((C - 1) % 2, 3)
        scfire((C - 1) % 2, 3)
        scwait(0, 2)
        scwait(1, 3)
        plsc.subcore_barrier()
        pltpu.sync_copy(acc.at[pl.ds(row0, RS)],
                        part_hbm.at[cid, pl.ds(row0, RS)])

    return prop_kernel(v, eidx)


def _row_specs(R, D, n_wide, n_deg, out_wide):
    BR = R // 4
    wide = pl.BlockSpec((BR, D), lambda i: (i, 0))
    deg = pl.BlockSpec((BR, NL), lambda i: (i, 0))
    w = pl.BlockSpec(memory_space=pltpu.SMEM)
    return dict(
        grid=(4,),
        in_specs=[w] + [deg] * n_deg + [wide] * n_wide,
        out_specs=[wide] * out_wide if out_wide > 1 else wide,
    )


def _dinv(d0_ref, d1_ref):
    deg = d0_ref[:, 0:1] + d1_ref[:, 0:1] + 1.0
    return deg


def _prep_body(w_ref, d0, d1, x_ref, y_ref):
    y_ref[...] = lax.rsqrt(_dinv(d0, d1)) * x_ref[...]


def _first_body(w_ref, d0, d1, p0, p1, y, m_ref, v_ref):
    m = p0[...] + p1[...] + y[...]
    m_ref[...] = m
    v_ref[...] = (w_ref[10] / _dinv(d0, d1)) * m


def _step_body(w_ref, d0, d1, p0, p1, m, v, v_ref, *, k):
    z = w_ref[k] * m[...] + p0[...] + p1[...] + v[...]
    v_ref[...] = z / _dinv(d0, d1)


def _final_body(w_ref, d0, d1, p0, p1, m, v, x, o_ref):
    z = w_ref[1] * m[...] + p0[...] + p1[...] + v[...]
    o_ref[...] = w_ref[0] * x[...] + lax.rsqrt(_dinv(d0, d1)) * z


def _shape(R, D, n=1):
    s = jax.ShapeDtypeStruct((R, D), jnp.float32)
    return [s] * n if n > 1 else s


@jax.jit
def _prep(w, d0, d1, x):
    R, D = x.shape
    return pl.pallas_call(_prep_body, out_shape=_shape(R, D),
                          **_row_specs(R, D, 1, 2, 1))(w, d0, d1, x)


@jax.jit
def _first_combine(w, d0, d1, p0, p1, y):
    R, D = y.shape
    return pl.pallas_call(_first_body, out_shape=_shape(R, D, 2),
                          **_row_specs(R, D, 3, 2, 2))(w, d0, d1, p0, p1, y)


@functools.partial(jax.jit, static_argnames=("k",))
def _step_combine(w, d0, d1, p0, p1, m, v, *, k):
    R, D = v.shape
    return pl.pallas_call(functools.partial(_step_body, k=k),
                          out_shape=_shape(R, D),
                          **_row_specs(R, D, 4, 2, 1))(w, d0, d1, p0, p1, m, v)


@jax.jit
def _final_combine(w, d0, d1, p0, p1, m, v, x):
    R, D = x.shape
    return pl.pallas_call(_final_body, out_shape=_shape(R, D),
                          **_row_specs(R, D, 5, 2, 1))(w, d0, d1, p0, p1, m, v, x)


ORDER_K = 10


def kernel(x, edge_index, weights):
    N, D = x.shape
    E = edge_index.shape[1]
    R = -(-(N + 1) // (8 * NS)) * (8 * NS)
    C = -(-(-(-E // (NW * K))) // 4) * 4
    EP = NW * K * C

    src = edge_index[0].astype(jnp.int32)
    dst = edge_index[1].astype(jnp.int32)
    pad = jnp.full((EP - E,), N, jnp.int32)
    srcw = jnp.concatenate([src, pad]).reshape(NW, C, K)
    dstw = jnp.concatenate([dst, pad]).reshape(NW, C, K)
    eidx = jnp.stack([srcw, dstw], axis=2)
    xp = jnp.zeros((R, D), jnp.float32).at[:N].set(x)
    w = weights.astype(jnp.float32)

    ones_rows = jnp.zeros((R, D), jnp.float32).at[:N].set(1.0)
    degp = _prop_call(ones_rows, eidx, R=R, C=C)
    d0, d1 = degp[0, :, :NL], degp[1, :, :NL]
    y = _prep(w, d0, d1, xp)

    p = _prop_call(y, eidx, R=R, C=C)
    m, v = _first_combine(w, d0, d1, p[0], p[1], y)
    for k in range(ORDER_K - 1, 1, -1):
        p = _prop_call(v, eidx, R=R, C=C)
        v = _step_combine(w, d0, d1, p[0], p[1], m, v, k=k)
    p = _prop_call(v, eidx, R=R, C=C)
    out = _final_combine(w, d0, d1, p[0], p[1], m, v, xp)
    return out[:N]

# --- scband reference (transcript-rebuilt; emitter-appended) ---
"""Pipeline reference for scband-gprpropagation-14645838480163 (READ-ONLY COPY).

The authoritative reference and input builder live on the scoring server;
editing this copy changes nothing except your own understanding.
"""

import jax, jax.numpy as jnp
import numpy as np

ORDER = 10
ALPHA = 0.1

def _ppr_init(order, alpha):
    w = [alpha * (1.0 - alpha) ** k for k in range(order)]
    w.append((1.0 - alpha) ** order)
    return jnp.asarray(w, dtype=jnp.float32)

def setup_inputs(seed: int = 0) -> dict:
    key = jax.random.key(seed)
    k1, k2 = jax.random.split(key)
    x = jax.random.normal(k1, (10000, 128), dtype=jnp.float32)
    edge_index = jax.random.randint(k2, (2, 320000), 0, 10000, dtype=jnp.int64)
    weights = _ppr_init(ORDER, ALPHA)
    return {"x": x, "edge_index": edge_index, "weights": weights}

def reference(x, edge_index, weights):
    N = x.shape[0]
    # add self loops (gcn_norm with add_self_loops=True)
    loop = jnp.arange(N, dtype=edge_index.dtype)
    src = jnp.concatenate([edge_index[0], loop])
    dst = jnp.concatenate([edge_index[1], loop])
    # symmetric normalization: deg computed over target (col) for flow source_to_target
    ones = jnp.ones(src.shape[0], dtype=x.dtype)
    deg = jax.ops.segment_sum(ones, dst, num_segments=N)
    deg_inv_sqrt = jnp.where(deg > 0, jax.lax.rsqrt(deg), 0.0)
    norm = deg_inv_sqrt[src] * deg_inv_sqrt[dst]
    hidden = x
    out = weights[0] * hidden
    for k in range(1, ORDER + 1):
        msgs = norm[:, None] * hidden[src]
        hidden = jax.ops.segment_sum(msgs, dst, num_segments=N)
        out = out + weights[k] * hidden
    return out

if __name__ == "__main__":
    import jax
    _d = setup_inputs()
    print(jax.jit(kernel)(*tuple(_d.values())))

</pallas_src>

<mosaic_0001>
#map = affine_map<(d0, d1) -> (0, 0)>
#map1 = affine_map<(d0, d1) -> (0, 0, 0, 0)>
#map2 = affine_map<(d0, d1) -> (0, 0, 0)>
module attributes {stable_mosaic.version = 14 : i64} {
  func.func @prop_kernel(%arg0: i32, %arg1: i32, %arg2: memref<10112x128xf32, #tpu.memory_space<hbm>>, %arg3: memref<32x80x2x128xi32, #tpu.memory_space<hbm>>, %arg4: memref<2x10112x128xf32, #tpu.memory_space<hbm>>, %arg5: memref<10112x128xf32, #tpu.memory_space<vmem_shared>>, %arg6: memref<2x128xi32, #tpu.memory_space<vmem>>, %arg7: memref<2x128xi32, #tpu.memory_space<vmem>>, %arg8: memref<2x128xi32, #tpu.memory_space<vmem>>, %arg9: memref<2x128xi32, #tpu.memory_space<vmem>>, %arg10: memref<128x128xf32, #tpu.memory_space<vmem>>, %arg11: memref<128x128xf32, #tpu.memory_space<vmem>>, %arg12: memref<!tpu.dma_semaphore, #tpu.memory_space<semaphore_mem>>, %arg13: memref<!tpu.dma_semaphore, #tpu.memory_space<semaphore_mem>>, %arg14: memref<!tpu.dma_semaphore, #tpu.memory_space<semaphore_mem>>, %arg15: memref<!tpu.dma_semaphore, #tpu.memory_space<semaphore_mem>>, %arg16: memref<!tpu.dma_semaphore, #tpu.memory_space<semaphore_mem>>, %arg17: memref<!tpu.dma_semaphore, #tpu.memory_space<semaphore_mem>>, %arg18: memref<!tpu.dma_semaphore, #tpu.memory_space<semaphore_mem>>, %arg19: memref<!tpu.dma_semaphore, #tpu.memory_space<semaphore_mem>>) attributes {dimension_semantics = [#tpu.dimension_semantics<core_parallel>, #tpu.dimension_semantics<subcore_parallel>], iteration_bounds = array<i64: 2, 16>, scalar_prefetch = 0 : i64, scratch_operands = 15 : i64, tpu.core_type = #tpu.core_type<sc_vector_subcore>, window_params = [{transform_indices = #map}, {transform_indices = #map1}, {transform_indices = #map2}]} {
    %mul3A = arith.constant 16 : i32
    %mul3A_0 = arith.muli %arg0, %mul3A : i32
    %add3A = arith.addi %mul3A_0, %arg1 : i32
    %scan3A = arith.constant 0 : i32
    %scan3A_1 = arith.constant 0 : i32
    %scan3A_2 = arith.constant 128 : i32
    %scan3A_3 = arith.addi %scan3A_1, %scan3A_2 : i32
    %scan3A_4 = arith.constant 1 : i32
    %scan3A_5 = scf.for %scan3A_89 = %scan3A_1 to %scan3A_3 step %scan3A_4 iter_args(%scan3A_90 = %scan3A) -> (i32)  : i32 {
      %broadcast_in_dim3A = arith.constant 0.000000e+00 : f32
      %broadcast_in_dim3A_91 = vector.broadcast %broadcast_in_dim3A : f32 to vector<16xf32>
      %swap3A = arith.index_cast %scan3A_89 : i32 to index
      %swap3A_92 = arith.constant 0 : index
      %swap3A_93 = tpu.vector_load %arg10[%swap3A, %swap3A_92] {strides = array<i32>} : memref<128x128xf32, #tpu.memory_space<vmem>>, vector<1x16xf32>,
      %swap3A_94 = vector.shape_cast %swap3A_93 : vector<1x16xf32> to vector<16xf32>
      %swap3A_95 = vector.shape_cast %broadcast_in_dim3A_91 : vector<16xf32> to vector<1x16xf32>
      tpu.vector_store %arg10[%swap3A, %swap3A_92], %swap3A_95 {strides = array<i32>} : memref<128x128xf32, #tpu.memory_space<vmem>>, vector<1x16xf32>,
      %broadcast_in_dim3A_96 = arith.constant 0.000000e+00 : f32
      %broadcast_in_dim3A_97 = vector.broadcast %broadcast_in_dim3A_96 : f32 to vector<16xf32>
      %swap3A_98 = arith.index_cast %scan3A_89 : i32 to index
      %swap3A_99 = arith.constant 16 : index
      %swap3A_100 = tpu.vector_load %arg10[%swap3A_98, %swap3A_99] {strides = array<i32>} : memref<128x128xf32, #tpu.memory_space<vmem>>, vector<1x16xf32>,
      %swap3A_101 = vector.shape_cast %swap3A_100 : vector<1x16xf32> to vector<16xf32>
      %swap3A_102 = vector.shape_cast %broadcast_in_dim3A_97 : vector<16xf32> to vector<1x16xf32>
      tpu.vector_store %arg10[%swap3A_98, %swap3A_99], %swap3A_102 {strides = array<i32>} : memref<128x128xf32, #tpu.memory_space<vmem>>, vector<1x16xf32>,
      %broadcast_in_dim3A_103 = arith.constant 0.000000e+00 : f32
      %broadcast_in_dim3A_104 = vector.broadcast %broadcast_in_dim3A_103 : f32 to vector<16xf32>
      %swap3A_105 = arith.index_cast %scan3A_89 : i32 to index
      %swap3A_106 = arith.constant 32 : index
      %swap3A_107 = tpu.vector_load %arg10[%swap3A_105, %swap3A_106] {strides = array<i32>} : memref<128x128xf32, #tpu.memory_space<vmem>>, vector<1x16xf32>,
      %swap3A_108 = vector.shape_cast %swap3A_107 : vector<1x16xf32> to vector<16xf32>
      %swap3A_109 = vector.shape_cast %broadcast_in_dim3A_104 : vector<16xf32> to vector<1x16xf32>
      tpu.vector_store %arg10[%swap3A_105, %swap3A_106], %swap3A_109 {strides = array<i32>} : memref<128x128xf32, #tpu.memory_space<vmem>>, vector<1x16xf32>,
      %broadcast_in_dim3A_110 = arith.constant 0.000000e+00 : f32
      %broadcast_in_dim3A_111 = vector.broadcast %broadcast_in_dim3A_110 : f32 to vector<16xf32>
      %swap3A_112 = arith.index_cast %scan3A_89 : i32 to index
      %swap3A_113 = arith.constant 48 : index
      %swap3A_114 = tpu.vector_load %arg10[%swap3A_112, %swap3A_113] {strides = array<i32>} : memref<128x128xf32, #tpu.memory_space<vmem>>, vector<1x16xf32>,
      %swap3A_115 = vector.shape_cast %swap3A_114 : vector<1x16xf32> to vector<16xf32>
      %swap3A_116 = vector.shape_cast %broadcast_in_dim3A_111 : vector<16xf32> to vector<1x16xf32>
      tpu.vector_store %arg10[%swap3A_112, %swap3A_113], %swap3A_116 {strides = array<i32>} : memref<128x128xf32, #tpu.memory_space<vmem>>, vector<1x16xf32>,
      %broadcast_in_dim3A_117 = arith.constant 0.000000e+00 : f32
      %broadcast_in_dim3A_118 = vector.broadcast %broadcast_in_dim3A_117 : f32 to vector<16xf32>
      %swap3A_119 = arith.index_cast %scan3A_89 : i32 to index
      %swap3A_120 = arith.constant 64 : index
      %swap3A_121 = tpu.vector_load %arg10[%swap3A_119, %swap3A_120] {strides = array<i32>} : memref<128x128xf32, #tpu.memory_space<vmem>>, vector<1x16xf32>,
      %swap3A_122 = vector.shape_cast %swap3A_121 : vector<1x16xf32> to vector<16xf32>
      %swap3A_123 = vector.shape_cast %broadcast_in_dim3A_118 : vector<16xf32> to vector<1x16xf32>
      tpu.vector_store %arg10[%swap3A_119, %swap3A_120], %swap3A_123 {strides = array<i32>} : memref<128x128xf32, #tpu.memory_space<vmem>>, vector<1x16xf32>,
      %broadcast_in_dim3A_124 = arith.constant 0.000000e+00 : f32
      %broadcast_in_dim3A_125 = vector.broadcast %broadcast_in_dim3A_124 : f32 to vector<16xf32>
      %swap3A_126 = arith.index_cast %scan3A_89 : i32 to index
      %swap3A_127 = arith.constant 80 : index
      %swap3A_128 = tpu.vector_load %arg10[%swap3A_126, %swap3A_127] {strides = array<i32>} : memref<128x128xf32, #tpu.memory_space<vmem>>, vector<1x16xf32>,
      %swap3A_129 = vector.shape_cast %swap3A_128 : vector<1x16xf32> to vector<16xf32>
      %swap3A_130 = vector.shape_cast %broadcast_in_dim3A_125 : vector<16xf32> to vector<1x16xf32>
      tpu.vector_store %arg10[%swap3A_126, %swap3A_127], %swap3A_130 {strides = array<i32>} : memref<128x128xf32, #tpu.memory_space<vmem>>, vector<1x16xf32>,
      %broadcast_in_dim3A_131 = arith.constant 0.000000e+00 : f32
      %broadcast_in_dim3A_132 = vector.broadcast %broadcast_in_dim3A_131 : f32 to vector<16xf32>
      %swap3A_133 = arith.index_cast %scan3A_89 : i32 to index
      %swap3A_134 = arith.constant 96 : index
      %swap3A_135 = tpu.vector_load %arg10[%swap3A_133, %swap3A_134] {strides = array<i32>} : memref<128x128xf32, #tpu.memory_space<vmem>>, vector<1x16xf32>,
      %swap3A_136 = vector.shape_cast %swap3A_135 : vector<1x16xf32> to vector<16xf32>
      %swap3A_137 = vector.shape_cast %broadcast_in_dim3A_132 : vector<16xf32> to vector<1x16xf32>
      tpu.vector_store %arg10[%swap3A_133, %swap3A_134], %swap3A_137 {strides = array<i32>} : memref<128x128xf32, #tpu.memory_space<vmem>>, vector<1x16xf32>,
      %broadcast_in_dim3A_138 = arith.constant 0.000000e+00 : f32
      %broadcast_in_dim3A_139 = vector.broadcast %broadcast_in_dim3A_138 : f32 to vector<16xf32>
      %swap3A_140 = arith.index_cast %scan3A_89 : i32 to index
      %swap3A_141 = arith.constant 112 : index
      %swap3A_142 = tpu.vector_load %arg10[%swap3A_140, %swap3A_141] {strides = array<i32>} : memref<128x128xf32, #tpu.memory_space<vmem>>, vector<1x16xf32>,
      %swap3A_143 = vector.shape_cast %swap3A_142 : vector<1x16xf32> to vector<16xf32>
      %swap3A_144 = vector.shape_cast %broadcast_in_dim3A_139 : vector<16xf32> to vector<1x16xf32>
      tpu.vector_store %arg10[%swap3A_140, %swap3A_141], %swap3A_144 {strides = array<i32>} : memref<128x128xf32, #tpu.memory_space<vmem>>, vector<1x16xf32>,
      %scan3A_145 = arith.constant 0 : i32
      scf.yield %scan3A_145 : i32
    }
    %scan3A_6 = arith.constant 128 : i32
    %mul3A_7 = arith.constant 632 : i32
    %mul3A_8 = arith.muli %arg1, %mul3A_7 : i32
    %add3A_9 = arith.constant 0 : i32
    %add3A_10 = arith.addi %mul3A_8, %add3A_9 : i32
    "tpu.region"() ({
      %run_scoped3A = tpu.sem_alloc : memref<!tpu.dma_semaphore, #tpu.memory_space<semaphore_mem>>
      %dma_start3A_89 = arith.constant 0 : i32
      %dma_start3A_90 = tpu.memref_slice %arg5[%add3A_10, %dma_start3A_89] : memref<10112x128xf32, #tpu.memory_space<vmem_shared>> -> memref<128x128xf32, #tpu.memory_space<vmem_shared>>
      %dma_start3A_91 = arith.constant 0 : i32
      %dma_start3A_92 = tpu.memref_slice %arg5[%add3A_10, %dma_start3A_91] : memref<10112x128xf32, #tpu.memory_space<vmem_shared>> -> memref<128x128xf32, #tpu.memory_space<vmem_shared>>
      tpu.enqueue_dma source(%arg10 : memref<128x128xf32, #tpu.memory_space<vmem>>) target(%dma_start3A_92 : memref<128x128xf32, #tpu.memory_space<vmem_shared>>) target_semaphore(%run_scoped3A : memref<!tpu.dma_semaphore, #tpu.memory_space<semaphore_mem>>)
      %dma_wait3A_93 = arith.constant 0 : i32
      %dma_wait3A_94 = tpu.memref_slice %arg5[%add3A_10, %dma_wait3A_93] : memref<10112x128xf32, #tpu.memory_space<vmem_shared>> -> memref<128x128xf32, #tpu.memory_space<vmem_shared>>
      %dma_wait3A_95 = arith.constant 0 : i32
      %dma_wait3A_96 = tpu.memref_slice %arg5[%add3A_10, %dma_wait3A_95] : memref<10112x128xf32, #tpu.memory_space<vmem_shared>> -> memref<128x128xf32, #tpu.memory_space<vmem_shared>>
      tpu.wait_dma2 semaphore(%run_scoped3A : memref<!tpu.dma_semaphore, #tpu.memory_space<semaphore_mem>>) src(%arg10 : memref<128x128xf32, #tpu.memory_space<vmem>>) dst(%dma_wait3A_96 : memref<128x128xf32, #tpu.memory_space<vmem_shared>>)
      tpu.yield
    }) : () -> ()
    %add3A_11 = arith.constant 128 : i32
    %add3A_12 = arith.addi %mul3A_8, %add3A_11 : i32
    "tpu.region"() ({
      %run_scoped3A = tpu.sem_alloc : memref<!tpu.dma_semaphore, #tpu.memory_space<semaphore_mem>>
      %dma_start3A_89 = arith.constant 0 : i32
      %dma_start3A_90 = tpu.memref_slice %arg5[%add3A_12, %dma_start3A_89] : memref<10112x128xf32, #tpu.memory_space<vmem_shared>> -> memref<128x128xf32, #tpu.memory_space<vmem_shared>>
      %dma_start3A_91 = arith.constant 0 : i32
      %dma_start3A_92 = tpu.memref_slice %arg5[%add3A_12, %dma_start3A_91] : memref<10112x128xf32, #tpu.memory_space<vmem_shared>> -> memref<128x128xf32, #tpu.memory_space<vmem_shared>>
      tpu.enqueue_dma source(%arg10 : memref<128x128xf32, #tpu.memory_space<vmem>>) target(%dma_start3A_92 : memref<128x128xf32, #tpu.memory_space<vmem_shared>>) target_semaphore(%run_scoped3A : memref<!tpu.dma_semaphore, #tpu.memory_space<semaphore_mem>>)
      %dma_wait3A_93 = arith.constant 0 : i32
      %dma_wait3A_94 = tpu.memref_slice %arg5[%add3A_12, %dma_wait3A_93] : memref<10112x128xf32, #tpu.memory_space<vmem_shared>> -> memref<128x128xf32, #tpu.memory_space<vmem_shared>>
      %dma_wait3A_95 = arith.constant 0 : i32
      %dma_wait3A_96 = tpu.memref_slice %arg5[%add3A_12, %dma_wait3A_95] : memref<10112x128xf32, #tpu.memory_space<vmem_shared>> -> memref<128x128xf32, #tpu.memory_space<vmem_shared>>
      tpu.wait_dma2 semaphore(%run_scoped3A : memref<!tpu.dma_semaphore, #tpu.memory_space<semaphore_mem>>) src(%arg10 : memref<128x128xf32, #tpu.memory_space<vmem>>) dst(%dma_wait3A_96 : memref<128x128xf32, #tpu.memory_space<vmem_shared>>)
      tpu.yield
    }) : () -> ()
    %add3A_13 = arith.constant 256 : i32
    %add3A_14 = arith.addi %mul3A_8, %add3A_13 : i32
    "tpu.region"() ({
      %run_scoped3A = tpu.sem_alloc : memref<!tpu.dma_semaphore, #tpu.memory_space<semaphore_mem>>
      %dma_start3A_89 = arith.constant 0 : i32
      %dma_start3A_90 = tpu.memref_slice %arg5[%add3A_14, %dma_start3A_89] : memref<10112x128xf32, #tpu.memory_space<vmem_shared>> -> memref<128x128xf32, #tpu.memory_space<vmem_shared>>
      %dma_start3A_91 = arith.constant 0 : i32
      %dma_start3A_92 = tpu.memref_slice %arg5[%add3A_14, %dma_start3A_91] : memref<10112x128xf32, #tpu.memory_space<vmem_shared>> -> memref<128x128xf32, #tpu.memory_space<vmem_shared>>
      tpu.enqueue_dma source(%arg10 : memref<128x128xf32, #tpu.memory_space<vmem>>) target(%dma_start3A_92 : memref<128x128xf32, #tpu.memory_space<vmem_shared>>) target_semaphore(%run_scoped3A : memref<!tpu.dma_semaphore, #tpu.memory_space<semaphore_mem>>)
      %dma_wait3A_93 = arith.constant 0 : i32
      %dma_wait3A_94 = tpu.memref_slice %arg5[%add3A_14, %dma_wait3A_93] : memref<10112x128xf32, #tpu.memory_space<vmem_shared>> -> memref<128x128xf32, #tpu.memory_space<vmem_shared>>
      %dma_wait3A_95 = arith.constant 0 : i32
      %dma_wait3A_96 = tpu.memref_slice %arg5[%add3A_14, %dma_wait3A_95] : memref<10112x128xf32, #tpu.memory_space<vmem_shared>> -> memref<128x128xf32, #tpu.memory_space<vmem_shared>>
      tpu.wait_dma2 semaphore(%run_scoped3A : memref<!tpu.dma_semaphore, #tpu.memory_space<semaphore_mem>>) src(%arg10 : memref<128x128xf32, #tpu.memory_space<vmem>>) dst(%dma_wait3A_96 : memref<128x128xf32, #tpu.memory_space<vmem_shared>>)
      tpu.yield
    }) : () -> ()
    %add3A_15 = arith.constant 384 : i32
    %add3A_16 = arith.addi %mul3A_8, %add3A_15 : i32
    "tpu.region"() ({
      %run_scoped3A = tpu.sem_alloc : memref<!tpu.dma_semaphore, #tpu.memory_space<semaphore_mem>>
      %dma_start3A_89 = arith.constant 0 : i32
      %dma_start3A_90 = tpu.memref_slice %arg5[%add3A_16, %dma_start3A_89] : memref<10112x128xf32, #tpu.memory_space<vmem_shared>> -> memref<128x128xf32, #tpu.memory_space<vmem_shared>>
      %dma_start3A_91 = arith.constant 0 : i32
      %dma_start3A_92 = tpu.memref_slice %arg5[%add3A_16, %dma_start3A_91] : memref<10112x128xf32, #tpu.memory_space<vmem_shared>> -> memref<128x128xf32, #tpu.memory_space<vmem_shared>>
      tpu.enqueue_dma source(%arg10 : memref<128x128xf32, #tpu.memory_space<vmem>>) target(%dma_start3A_92 : memref<128x128xf32, #tpu.memory_space<vmem_shared>>) target_semaphore(%run_scoped3A : memref<!tpu.dma_semaphore, #tpu.memory_space<semaphore_mem>>)
      %dma_wait3A_93 = arith.constant 0 : i32
      %dma_wait3A_94 = tpu.memref_slice %arg5[%add3A_16, %dma_wait3A_93] : memref<10112x128xf32, #tpu.memory_space<vmem_shared>> -> memref<128x128xf32, #tpu.memory_space<vmem_shared>>
      %dma_wait3A_95 = arith.constant 0 : i32
      %dma_wait3A_96 = tpu.memref_slice %arg5[%add3A_16, %dma_wait3A_95] : memref<10112x128xf32, #tpu.memory_space<vmem_shared>> -> memref<128x128xf32, #tpu.memory_space<vmem_shared>>
      tpu.wait_dma2 semaphore(%run_scoped3A : memref<!tpu.dma_semaphore, #tpu.memory_space<semaphore_mem>>) src(%arg10 : memref<128x128xf32, #tpu.memory_space<vmem>>) dst(%dma_wait3A_96 : memref<128x128xf32, #tpu.memory_space<vmem_shared>>)
      tpu.yield
    }) : () -> ()
    %add3A_17 = arith.constant 512 : i32
    %add3A_18 = arith.addi %mul3A_8, %add3A_17 : i32
    "tpu.region"() ({
      %run_scoped3A = tpu.sem_alloc : memref<!tpu.dma_semaphore, #tpu.memory_space<semaphore_mem>>
      %dma_start3A_89 = arith.constant 0 : i32
      %dma_start3A_90 = arith.constant 0 : i32
      %dma_start3A_91 = tpu.memref_slice %arg10[%dma_start3A_89, %dma_start3A_90] : memref<128x128xf32, #tpu.memory_space<vmem>> -> memref<120x128xf32, #tpu.memory_space<vmem>>
      %dma_start3A_92 = arith.constant 0 : i32
      %dma_start3A_93 = tpu.memref_slice %arg5[%add3A_18, %dma_start3A_92] : memref<10112x128xf32, #tpu.memory_space<vmem_shared>> -> memref<120x128xf32, #tpu.memory_space<vmem_shared>>
      %dma_start3A_94 = arith.constant 0 : i32
      %dma_start3A_95 = tpu.memref_slice %arg5[%add3A_18, %dma_start3A_94] : memref<10112x128xf32, #tpu.memory_space<vmem_shared>> -> memref<120x128xf32, #tpu.memory_space<vmem_shared>>
      %dma_start3A_96 = arith.constant 0 : i32
      %dma_start3A_97 = arith.constant 0 : i32
      %dma_start3A_98 = tpu.memref_slice %arg10[%dma_start3A_96, %dma_start3A_97] : memref<128x128xf32, #tpu.memory_space<vmem>> -> memref<120x128xf32, #tpu.memory_space<vmem>>
      tpu.enqueue_dma source(%dma_start3A_98 : memref<120x128xf32, #tpu.memory_space<vmem>>) target(%dma_start3A_95 : memref<120x128xf32, #tpu.memory_space<vmem_shared>>) target_semaphore(%run_scoped3A : memref<!tpu.dma_semaphore, #tpu.memory_space<semaphore_mem>>)
      %dma_wait3A_99 = arith.constant 0 : i32
      %dma_wait3A_100 = arith.constant 0 : i32
      %dma_wait3A_101 = tpu.memref_slice %arg10[%dma_wait3A_99, %dma_wait3A_100] : memref<128x128xf32, #tpu.memory_space<vmem>> -> memref<120x128xf32, #tpu.memory_space<vmem>>
      %dma_wait3A_102 = arith.constant 0 : i32
      %dma_wait3A_103 = tpu.memref_slice %arg5[%add3A_18, %dma_wait3A_102] : memref<10112x128xf32, #tpu.memory_space<vmem_shared>> -> memref<120x128xf32, #tpu.memory_space<vmem_shared>>
      %dma_wait3A_104 = arith.constant 0 : i32
      %dma_wait3A_105 = tpu.memref_slice %arg5[%add3A_18, %dma_wait3A_104] : memref<10112x128xf32, #tpu.memory_space<vmem_shared>> -> memref<120x128xf32, #tpu.memory_space<vmem_shared>>
      %dma_wait3A_106 = arith.constant 0 : i32
      %dma_wait3A_107 = arith.constant 0 : i32
      %dma_wait3A_108 = tpu.memref_slice %arg10[%dma_wait3A_106, %dma_wait3A_107] : memref<128x128xf32, #tpu.memory_space<vmem>> -> memref<120x128xf32, #tpu.memory_space<vmem>>
      tpu.wait_dma2 semaphore(%run_scoped3A : memref<!tpu.dma_semaphore, #tpu.memory_space<semaphore_mem>>) src(%dma_wait3A_108 : memref<120x128xf32, #tpu.memory_space<vmem>>) dst(%dma_wait3A_105 : memref<120x128xf32, #tpu.memory_space<vmem_shared>>)
      tpu.yield
    }) : () -> ()
    %barrier3A = arith.constant 0 : index
    tpu.barrier barrier_id(%barrier3A)
    %dma_start3A = arith.constant 0 : i32
    %dma_start3A_19 = arith.constant 0 : i32
    %dma_start3A_20 = arith.constant 0 : i32
    %dma_start3A_21 = tpu.memref_slice %arg3[%add3A, %dma_start3A, %dma_start3A_19, %dma_start3A_20] : memref<32x80x2x128xi32, #tpu.memory_space<hbm>> -> memref<1x1x2x128xi32, #tpu.memory_space<hbm>>
    %dma_start3A_22 = tpu.memref_squeeze %dma_start3A_21 : memref<1x1x2x128xi32, #tpu.memory_space<hbm>> -> memref<2x128xi32, #tpu.memory_space<hbm>>
    %dma_start3A_23 = arith.constant 0 : i32
    %dma_start3A_24 = arith.constant 0 : i32
    %dma_start3A_25 = tpu.memref_slice %arg3[%add3A, %dma_start3A, %dma_start3A_23, %dma_start3A_24] : memref<32x80x2x128xi32, #tpu.memory_space<hbm>> -> memref<1x1x2x128xi32, #tpu.memory_space<hbm>>
    %dma_start3A_26 = tpu.memref_squeeze %dma_start3A_25 : memref<1x1x2x128xi32, #tpu.memory_space<hbm>> -> memref<2x128xi32, #tpu.memory_space<hbm>>
    tpu.enqueue_dma source(%dma_start3A_26 : memref<2x128xi32, #tpu.memory_space<hbm>>) target(%arg6 : memref<2x128xi32, #tpu.memory_space<vmem>>) target_semaphore(%arg16 : memref<!tpu.dma_semaphore, #tpu.memory_space<semaphore_mem>>)
    %dma_start3A_27 = arith.constant 1 : i32
    %dma_start3A_28 = arith.constant 0 : i32
    %dma_start3A_29 = arith.constant 0 : i32
    %dma_start3A_30 = tpu.memref_slice %arg3[%add3A, %dma_start3A_27, %dma_start3A_28, %dma_start3A_29] : memref<32x80x2x128xi32, #tpu.memory_space<hbm>> -> memref<1x1x2x128xi32, #tpu.memory_space<hbm>>
    %dma_start3A_31 = tpu.memref_squeeze %dma_start3A_30 : memref<1x1x2x128xi32, #tpu.memory_space<hbm>> -> memref<2x128xi32, #tpu.memory_space<hbm>>
    %dma_start3A_32 = arith.constant 0 : i32
    %dma_start3A_33 = arith.constant 0 : i32
    %dma_start3A_34 = tpu.memref_slice %arg3[%add3A, %dma_start3A_27, %dma_start3A_32, %dma_start3A_33] : memref<32x80x2x128xi32, #tpu.memory_space<hbm>> -> memref<1x1x2x128xi32, #tpu.memory_space<hbm>>
    %dma_start3A_35 = tpu.memref_squeeze %dma_start3A_34 : memref<1x1x2x128xi32, #tpu.memory_space<hbm>> -> memref<2x128xi32, #tpu.memory_space<hbm>>
    tpu.enqueue_dma source(%dma_start3A_35 : memref<2x128xi32, #tpu.memory_space<hbm>>) target(%arg7 : memref<2x128xi32, #tpu.memory_space<vmem>>) target_semaphore(%arg17 : memref<!tpu.dma_semaphore, #tpu.memory_space<semaphore_mem>>)
    %dma_start3A_36 = arith.constant 2 : i32
    %dma_start3A_37 = arith.constant 0 : i32
    %dma_start3A_38 = arith.constant 0 : i32
    %dma_start3A_39 = tpu.memref_slice %arg3[%add3A, %dma_start3A_36, %dma_start3A_37, %dma_start3A_38] : memref<32x80x2x128xi32, #tpu.memory_space<hbm>> -> memref<1x1x2x128xi32, #tpu.memory_space<hbm>>
    %dma_start3A_40 = tpu.memref_squeeze %dma_start3A_39 : memref<1x1x2x128xi32, #tpu.memory_space<hbm>> -> memref<2x128xi32, #tpu.memory_space<hbm>>
    %dma_start3A_41 = arith.constant 0 : i32
    %dma_start3A_42 = arith.constant 0 : i32
    %dma_start3A_43 = tpu.memref_slice %arg3[%add3A, %dma_start3A_36, %dma_start3A_41, %dma_start3A_42] : memref<32x80x2x128xi32, #tpu.memory_space<hbm>> -> memref<1x1x2x128xi32, #tpu.memory_space<hbm>>
    %dma_start3A_44 = tpu.memref_squeeze %dma_start3A_43 : memref<1x1x2x128xi32, #tpu.memory_space<hbm>> -> memref<2x128xi32, #tpu.memory_space<hbm>>
    tpu.enqueue_dma source(%dma_start3A_44 : memref<2x128xi32, #tpu.memory_space<hbm>>) target(%arg8 : memref<2x128xi32, #tpu.memory_space<vmem>>) target_semaphore(%arg18 : memref<!tpu.dma_semaphore, #tpu.memory_space<semaphore_mem>>)
    %dma_start3A_45 = arith.constant 3 : i32
    %dma_start3A_46 = arith.constant 0 : i32
    %dma_start3A_47 = arith.constant 0 : i32
    %dma_start3A_48 = tpu.memref_slice %arg3[%add3A, %dma_start3A_45, %dma_start3A_46, %dma_start3A_47] : memref<32x80x2x128xi32, #tpu.memory_space<hbm>> -> memref<1x1x2x128xi32, #tpu.memory_space<hbm>>
    %dma_start3A_49 = tpu.memref_squeeze %dma_start3A_48 : memref<1x1x2x128xi32, #tpu.memory_space<hbm>> -> memref<2x128xi32, #tpu.memory_space<hbm>>
    %dma_start3A_50 = arith.constant 0 : i32
    %dma_start3A_51 = arith.constant 0 : i32
    %dma_start3A_52 = tpu.memref_slice %arg3[%add3A, %dma_start3A_45, %dma_start3A_50, %dma_start3A_51] : memref<32x80x2x128xi32, #tpu.memory_space<hbm>> -> memref<1x1x2x128xi32, #tpu.memory_space<hbm>>
    %dma_start3A_53 = tpu.memref_squeeze %dma_start3A_52 : memref<1x1x2x128xi32, #tpu.memory_space<hbm>> -> memref<2x128xi32, #tpu.memory_space<hbm>>
    tpu.enqueue_dma source(%dma_start3A_53 : memref<2x128xi32, #tpu.memory_space<hbm>>) target(%arg9 : memref<2x128xi32, #tpu.memory_space<vmem>>) target_semaphore(%arg19 : memref<!tpu.dma_semaphore, #tpu.memory_space<semaphore_mem>>)
    %scan3A_54 = arith.constant 0 : i32
    %scan3A_55 = arith.constant 0 : i32
    %scan3A_56 = arith.constant 20 : i32
    %scan3A_57 = arith.addi %scan3A_55, %scan3A_56 : i32
    %scan3A_58 = arith.constant 1 : i32
    %scan3A_59 = scf.for %scan3A_89 = %scan3A_55 to %scan3A_57 step %scan3A_58 iter_args(%scan3A_90 = %scan3A_54) -> (i32)  : i32 {
      %mul3A_91 = arith.constant 4 : i32
      %mul3A_92 = arith.muli %mul3A_91, %scan3A_89 : i32
      %add3A_93 = arith.constant 0 : i32
      %add3A_94 = arith.addi %mul3A_92, %add3A_93 : i32
      %ge3A = arith.constant 2 : i32
      %ge3A_95 = arith.cmpi sge, %add3A_94, %ge3A : i32
      %convert_element_type3A = arith.extui %ge3A_95 : i1 to i32
      %cond3A = arith.constant 0 : i32
      %cond3A_96 = arith.cmpi ne, %convert_element_type3A, %cond3A : i32
      scf.if %cond3A_96 {
        %dma_wait3A_205 = arith.constant 1 : i32
        %dma_wait3A_206 = arith.constant 0 : i32
        %dma_wait3A_207 = tpu.memref_slice %arg8[%dma_wait3A_205, %dma_wait3A_206] : memref<2x128xi32, #tpu.memory_space<vmem>> -> memref<1x128xi32, #tpu.memory_space<vmem>>
        %dma_wait3A_208 = tpu.memref_squeeze %dma_wait3A_207 : memref<1x128xi32, #tpu.memory_space<vmem>> -> memref<128xi32, #tpu.memory_space<vmem>>
        %dma_wait3A_209 = arith.constant 0 : i32
        %dma_wait3A_210 = arith.constant 0 : i32
        %dma_wait3A_211 = tpu.memref_slice %arg5[%dma_wait3A_209, %dma_wait3A_210] : memref<10112x128xf32, #tpu.memory_space<vmem_shared>> -> memref<10112x128xf32, #tpu.memory_space<vmem_shared>>
        tpu.wait_indirect_dma semaphore(%arg14 : memref<!tpu.dma_semaphore, #tpu.memory_space<semaphore_mem>>) src(%arg10 : memref<128x128xf32, #tpu.memory_space<vmem>>) dst(%dma_wait3A_211 : memref<10112x128xf32, #tpu.memory_space<vmem_shared>>)
        %add3A_212 = arith.constant 2 : i32
        %add3A_213 = arith.addi %add3A_94, %add3A_212 : i32
        %lt3A = arith.constant 80 : i32
        %lt3A_214 = arith.cmpi slt, %add3A_213, %lt3A : i32
        %convert_element_type3A_215 = arith.extui %lt3A_214 : i1 to i32
        %cond3A_216 = arith.constant 0 : i32
        %cond3A_217 = arith.cmpi ne, %convert_element_type3A_215, %cond3A_216 : i32
        scf.if %cond3A_217 {
          %add3A_218 = arith.constant 2 : i32
          %add3A_219 = arith.addi %add3A_94, %add3A_218 : i32
          %dma_start3A_220 = arith.constant 0 : i32
          %dma_start3A_221 = arith.constant 0 : i32
          %dma_start3A_222 = tpu.memref_slice %arg3[%add3A, %add3A_219, %dma_start3A_220, %dma_start3A_221] : memref<32x80x2x128xi32, #tpu.memory_space<hbm>> -> memref<1x1x2x128xi32, #tpu.memory_space<hbm>>
          %dma_start3A_223 = tpu.memref_squeeze %dma_start3A_222 : memref<1x1x2x128xi32, #tpu.memory_space<hbm>> -> memref<2x128xi32, #tpu.memory_space<hbm>>
          %dma_start3A_224 = arith.constant 0 : i32
          %dma_start3A_225 = arith.constant 0 : i32
          %dma_start3A_226 = tpu.memref_slice %arg3[%add3A, %add3A_219, %dma_start3A_224, %dma_start3A_225] : memref<32x80x2x128xi32, #tpu.memory_space<hbm>> -> memref<1x1x2x128xi32, #tpu.memory_space<hbm>>
          %dma_start3A_227 = tpu.memref_squeeze %dma_start3A_226 : memref<1x1x2x128xi32, #tpu.memory_space<hbm>> -> memref<2x128xi32, #tpu.memory_space<hbm>>
          tpu.enqueue_dma source(%dma_start3A_227 : memref<2x128xi32, #tpu.memory_space<hbm>>) target(%arg8 : memref<2x128xi32, #tpu.memory_space<vmem>>) target_semaphore(%arg18 : memref<!tpu.dma_semaphore, #tpu.memory_space<semaphore_mem>>)
        } else {
        }
      } else {
      }
      %dma_wait3A_97 = arith.constant 0 : i32
      %dma_wait3A_98 = arith.constant 0 : i32
      %dma_wait3A_99 = tpu.memref_slice %arg3[%add3A, %add3A_94, %dma_wait3A_97, %dma_wait3A_98] : memref<32x80x2x128xi32, #tpu.memory_space<hbm>> -> memref<1x1x2x128xi32, #tpu.memory_space<hbm>>
      %dma_wait3A_100 = tpu.memref_squeeze %dma_wait3A_99 : memref<1x1x2x128xi32, #tpu.memory_space<hbm>> -> memref<2x128xi32, #tpu.memory_space<hbm>>
      %dma_wait3A_101 = arith.constant 0 : i32
      %dma_wait3A_102 = arith.constant 0 : i32
      %dma_wait3A_103 = tpu.memref_slice %arg3[%add3A, %add3A_94, %dma_wait3A_101, %dma_wait3A_102] : memref<32x80x2x128xi32, #tpu.memory_space<hbm>> -> memref<1x1x2x128xi32, #tpu.memory_space<hbm>>
      %dma_wait3A_104 = tpu.memref_squeeze %dma_wait3A_103 : memref<1x1x2x128xi32, #tpu.memory_space<hbm>> -> memref<2x128xi32, #tpu.memory_space<hbm>>
      tpu.wait_dma2 semaphore(%arg16 : memref<!tpu.dma_semaphore, #tpu.memory_space<semaphore_mem>>) src(%dma_wait3A_104 : memref<2x128xi32, #tpu.memory_space<hbm>>) dst(%arg6 : memref<2x128xi32, #tpu.memory_space<vmem>>)
      %dma_start3A_105 = arith.constant 0 : i32
      %dma_start3A_106 = arith.constant 0 : i32
      %dma_start3A_107 = tpu.memref_slice %arg6[%dma_start3A_105, %dma_start3A_106] : memref<2x128xi32, #tpu.memory_space<vmem>> -> memref<1x128xi32, #tpu.memory_space<vmem>>
      %dma_start3A_108 = tpu.memref_squeeze %dma_start3A_107 : memref<1x128xi32, #tpu.memory_space<vmem>> -> memref<128xi32, #tpu.memory_space<vmem>>
      %dma_start3A_109 = arith.constant 0 : i32
      %dma_start3A_110 = arith.constant 0 : i32
      %dma_start3A_111 = tpu.memref_slice %arg2[%dma_start3A_109, %dma_start3A_110] : memref<10112x128xf32, #tpu.memory_space<hbm>> -> memref<10112x128xf32, #tpu.memory_space<hbm>>
      tpu.enqueue_indirect_dma source(%dma_start3A_111 : memref<10112x128xf32, #tpu.memory_space<hbm>>) target(%arg10 : memref<128x128xf32, #tpu.memory_space<vmem>>) offsets(%dma_start3A_108 : memref<128xi32, #tpu.memory_space<vmem>>) semaphore(%arg12 : memref<!tpu.dma_semaphore, #tpu.memory_space<semaphore_mem>>)
      %ge3A_112 = arith.constant 1 : i32
      %ge3A_113 = arith.cmpi sge, %add3A_94, %ge3A_112 : i32
      %convert_element_type3A_114 = arith.extui %ge3A_113 : i1 to i32
      %cond3A_115 = arith.constant 0 : i32
      %cond3A_116 = arith.cmpi ne, %convert_element_type3A_114, %cond3A_115 : i32
      scf.if %cond3A_116 {
        %dma_wait3A_205 = arith.constant 0 : i32
        %dma_wait3A_206 = arith.constant 0 : i32
        %dma_wait3A_207 = tpu.memref_slice %arg9[%dma_wait3A_205, %dma_wait3A_206] : memref<2x128xi32, #tpu.memory_space<vmem>> -> memref<1x128xi32, #tpu.memory_space<vmem>>
        %dma_wait3A_208 = tpu.memref_squeeze %dma_wait3A_207 : memref<1x128xi32, #tpu.memory_space<vmem>> -> memref<128xi32, #tpu.memory_space<vmem>>
        %dma_wait3A_209 = arith.constant 0 : i32
        %dma_wait3A_210 = arith.constant 0 : i32
        %dma_wait3A_211 = tpu.memref_slice %arg2[%dma_wait3A_209, %dma_wait3A_210] : memref<10112x128xf32, #tpu.memory_space<hbm>> -> memref<10112x128xf32, #tpu.memory_space<hbm>>
        tpu.wait_indirect_dma semaphore(%arg13 : memref<!tpu.dma_semaphore, #tpu.memory_space<semaphore_mem>>) src(%dma_wait3A_211 : memref<10112x128xf32, #tpu.memory_space<hbm>>) dst(%arg11 : memref<128x128xf32, #tpu.memory_space<vmem>>)
        %dma_start3A_212 = arith.constant 1 : i32
        %dma_start3A_213 = arith.constant 0 : i32
        %dma_start3A_214 = tpu.memref_slice %arg9[%dma_start3A_212, %dma_start3A_213] : memref<2x128xi32, #tpu.memory_space<vmem>> -> memref<1x128xi32, #tpu.memory_space<vmem>>
        %dma_start3A_215 = tpu.memref_squeeze %dma_start3A_214 : memref<1x128xi32, #tpu.memory_space<vmem>> -> memref<128xi32, #tpu.memory_space<vmem>>
        %dma_start3A_216 = arith.constant 0 : i32
        %dma_start3A_217 = arith.constant 0 : i32
        %dma_start3A_218 = tpu.memref_slice %arg5[%dma_start3A_216, %dma_start3A_217] : memref<10112x128xf32, #tpu.memory_space<vmem_shared>> -> memref<10112x128xf32, #tpu.memory_space<vmem_shared>>
        tpu.enqueue_indirect_dma source(%arg11 : memref<128x128xf32, #tpu.memory_space<vmem>>) target(%dma_start3A_218 : memref<10112x128xf32, #tpu.memory_space<vmem_shared>>) offsets(%dma_start3A_215 : memref<128xi32, #tpu.memory_space<vmem>>) semaphore(%arg15 : memref<!tpu.dma_semaphore, #tpu.memory_space<semaphore_mem>>) {add = true}
      } else {
      }
      %mul3A_117 = arith.constant 4 : i32
      %mul3A_118 = arith.muli %mul3A_117, %scan3A_89 : i32
      %add3A_119 = arith.constant 1 : i32
      %add3A_120 = arith.addi %mul3A_118, %add3A_119 : i32
      %ge3A_121 = arith.constant 2 : i32
      %ge3A_122 = arith.cmpi sge, %add3A_120, %ge3A_121 : i32
      %convert_element_type3A_123 = arith.extui %ge3A_122 : i1 to i32
      %cond3A_124 = arith.constant 0 : i32
      %cond3A_125 = arith.cmpi ne, %convert_element_type3A_123, %cond3A_124 : i32
      scf.if %cond3A_125 {
        %dma_wait3A_205 = arith.constant 1 : i32
        %dma_wait3A_206 = arith.constant 0 : i32
        %dma_wait3A_207 = tpu.memref_slice %arg9[%dma_wait3A_205, %dma_wait3A_206] : memref<2x128xi32, #tpu.memory_space<vmem>> -> memref<1x128xi32, #tpu.memory_space<vmem>>
        %dma_wait3A_208 = tpu.memref_squeeze %dma_wait3A_207 : memref<1x128xi32, #tpu.memory_space<vmem>> -> memref<128xi32, #tpu.memory_space<vmem>>
        %dma_wait3A_209 = arith.constant 0 : i32
        %dma_wait3A_210 = arith.constant 0 : i32
        %dma_wait3A_211 = tpu.memref_slice %arg5[%dma_wait3A_209, %dma_wait3A_210] : memref<10112x128xf32, #tpu.memory_space<vmem_shared>> -> memref<10112x128xf32, #tpu.memory_space<vmem_shared>>
        tpu.wait_indirect_dma semaphore(%arg15 : memref<!tpu.dma_semaphore, #tpu.memory_space<semaphore_mem>>) src(%arg11 : memref<128x128xf32, #tpu.memory_space<vmem>>) dst(%dma_wait3A_211 : memref<10112x128xf32, #tpu.memory_space<vmem_shared>>)
        %add3A_212 = arith.constant 2 : i32
        %add3A_213 = arith.addi %add3A_120, %add3A_212 : i32
        %lt3A = arith.constant 80 : i32
        %lt3A_214 = arith.cmpi slt, %add3A_213, %lt3A : i32
        %convert_element_type3A_215 = arith.extui %lt3A_214 : i1 to i32
        %cond3A_216 = arith.constant 0 : i32
        %cond3A_217 = arith.cmpi ne, %convert_element_type3A_215, %cond3A_216 : i32
        scf.if %cond3A_217 {
          %add3A_218 = arith.constant 2 : i32
          %add3A_219 = arith.addi %add3A_120, %add3A_218 : i32
          %dma_start3A_220 = arith.constant 0 : i32
          %dma_start3A_221 = arith.constant 0 : i32
          %dma_start3A_222 = tpu.memref_slice %arg3[%add3A, %add3A_219, %dma_start3A_220, %dma_start3A_221] : memref<32x80x2x128xi32, #tpu.memory_space<hbm>> -> memref<1x1x2x128xi32, #tpu.memory_space<hbm>>
          %dma_start3A_223 = tpu.memref_squeeze %dma_start3A_222 : memref<1x1x2x128xi32, #tpu.memory_space<hbm>> -> memref<2x128xi32, #tpu.memory_space<hbm>>
          %dma_start3A_224 = arith.constant 0 : i32
          %dma_start3A_225 = arith.constant 0 : i32
          %dma_start3A_226 = tpu.memref_slice %arg3[%add3A, %add3A_219, %dma_start3A_224, %dma_start3A_225] : memref<32x80x2x128xi32, #tpu.memory_space<hbm>> -> memref<1x1x2x128xi32, #tpu.memory_space<hbm>>
          %dma_start3A_227 = tpu.memref_squeeze %dma_start3A_226 : memref<1x1x2x128xi32, #tpu.memory_space<hbm>> -> memref<2x128xi32, #tpu.memory_space<hbm>>
          tpu.enqueue_dma source(%dma_start3A_227 : memref<2x128xi32, #tpu.memory_space<hbm>>) target(%arg9 : memref<2x128xi32, #tpu.memory_space<vmem>>) target_semaphore(%arg19 : memref<!tpu.dma_semaphore, #tpu.memory_space<semaphore_mem>>)
        } else {
        }
      } else {
      }
      %dma_wait3A_126 = arith.constant 0 : i32
      %dma_wait3A_127 = arith.constant 0 : i32
      %dma_wait3A_128 = tpu.memref_slice %arg3[%add3A, %add3A_120, %dma_wait3A_126, %dma_wait3A_127] : memref<32x80x2x128xi32, #tpu.memory_space<hbm>> -> memref<1x1x2x128xi32, #tpu.memory_space<hbm>>
      %dma_wait3A_129 = tpu.memref_squeeze %dma_wait3A_128 : memref<1x1x2x128xi32, #tpu.memory_space<hbm>> -> memref<2x128xi32, #tpu.memory_space<hbm>>
      %dma_wait3A_130 = arith.constant 0 : i32
      %dma_wait3A_131 = arith.constant 0 : i32
      %dma_wait3A_132 = tpu.memref_slice %arg3[%add3A, %add3A_120, %dma_wait3A_130, %dma_wait3A_131] : memref<32x80x2x128xi32, #tpu.memory_space<hbm>> -> memref<1x1x2x128xi32, #tpu.memory_space<hbm>>
      %dma_wait3A_133 = tpu.memref_squeeze %dma_wait3A_132 : memref<1x1x2x128xi32, #tpu.memory_space<hbm>> -> memref<2x128xi32, #tpu.memory_space<hbm>>
      tpu.wait_dma2 semaphore(%arg17 : memref<!tpu.dma_semaphore, #tpu.memory_space<semaphore_mem>>) src(%dma_wait3A_133 : memref<2x128xi32, #tpu.memory_space<hbm>>) dst(%arg7 : memref<2x128xi32, #tpu.memory_space<vmem>>)
      %dma_start3A_134 = arith.constant 0 : i32
      %dma_start3A_135 = arith.constant 0 : i32
      %dma_start3A_136 = tpu.memref_slice %arg7[%dma_start3A_134, %dma_start3A_135] : memref<2x128xi32, #tpu.memory_space<vmem>> -> memref<1x128xi32, #tpu.memory_space<vmem>>
      %dma_start3A_137 = tpu.memref_squeeze %dma_start3A_136 : memref<1x128xi32, #tpu.memory_space<vmem>> -> memref<128xi32, #tpu.memory_space<vmem>>
      %dma_start3A_138 = arith.constant 0 : i32
      %dma_start3A_139 = arith.constant 0 : i32
      %dma_start3A_140 = tpu.memref_slice %arg2[%dma_start3A_138, %dma_start3A_139] : memref<10112x128xf32, #tpu.memory_space<hbm>> -> memref<10112x128xf32, #tpu.memory_space<hbm>>
      tpu.enqueue_indirect_dma source(%dma_start3A_140 : memref<10112x128xf32, #tpu.memory_space<hbm>>) target(%arg11 : memref<128x128xf32, #tpu.memory_space<vmem>>) offsets(%dma_start3A_137 : memref<128xi32, #tpu.memory_space<vmem>>) semaphore(%arg13 : memref<!tpu.dma_semaphore, #tpu.memory_space<semaphore_mem>>)
      %ge3A_141 = arith.constant 1 : i32
      %ge3A_142 = arith.cmpi sge, %add3A_120, %ge3A_141 : i32
      %convert_element_type3A_143 = arith.extui %ge3A_142 : i1 to i32
      %cond3A_144 = arith.constant 0 : i32
      %cond3A_145 = arith.cmpi ne, %convert_element_type3A_143, %cond3A_144 : i32
      scf.if %cond3A_145 {
        %dma_wait3A_205 = arith.constant 0 : i32
        %dma_wait3A_206 = arith.constant 0 : i32
        %dma_wait3A_207 = tpu.memref_slice %arg6[%dma_wait3A_205, %dma_wait3A_206] : memref<2x128xi32, #tpu.memory_space<vmem>> -> memref<1x128xi32, #tpu.memory_space<vmem>>
        %dma_wait3A_208 = tpu.memref_squeeze %dma_wait3A_207 : memref<1x128xi32, #tpu.memory_space<vmem>> -> memref<128xi32, #tpu.memory_space<vmem>>
        %dma_wait3A_209 = arith.constant 0 : i32
        %dma_wait3A_210 = arith.constant 0 : i32
        %dma_wait3A_211 = tpu.memref_slice %arg2[%dma_wait3A_209, %dma_wait3A_210] : memref<10112x128xf32, #tpu.memory_space<hbm>> -> memref<10112x128xf32, #tpu.memory_space<hbm>>
        tpu.wait_indirect_dma semaphore(%arg12 : memref<!tpu.dma_semaphore, #tpu.memory_space<semaphore_mem>>) src(%dma_wait3A_211 : memref<10112x128xf32, #tpu.memory_space<hbm>>) dst(%arg10 : memref<128x128xf32, #tpu.memory_space<vmem>>)
        %dma_start3A_212 = arith.constant 1 : i32
        %dma_start3A_213 = arith.constant 0 : i32
        %dma_start3A_214 = tpu.memref_slice %arg6[%dma_start3A_212, %dma_start3A_213] : memref<2x128xi32, #tpu.memory_space<vmem>> -> memref<1x128xi32, #tpu.memory_space<vmem>>
        %dma_start3A_215 = tpu.memref_squeeze %dma_start3A_214 : memref<1x128xi32, #tpu.memory_space<vmem>> -> memref<128xi32, #tpu.memory_space<vmem>>
        %dma_start3A_216 = arith.constant 0 : i32
        %dma_start3A_217 = arith.constant 0 : i32
        %dma_start3A_218 = tpu.memref_slice %arg5[%dma_start3A_216, %dma_start3A_217] : memref<10112x128xf32, #tpu.memory_space<vmem_shared>> -> memref<10112x128xf32, #tpu.memory_space<vmem_shared>>
        tpu.enqueue_indirect_dma source(%arg10 : memref<128x128xf32, #tpu.memory_space<vmem>>) target(%dma_start3A_218 : memref<10112x128xf32, #tpu.memory_space<vmem_shared>>) offsets(%dma_start3A_215 : memref<128xi32, #tpu.memory_space<vmem>>) semaphore(%arg14 : memref<!tpu.dma_semaphore, #tpu.memory_space<semaphore_mem>>) {add = true}
      } else {
      }
      %mul3A_146 = arith.constant 4 : i32
      %mul3A_147 = arith.muli %mul3A_146, %scan3A_89 : i32
      %add3A_148 = arith.constant 2 : i32
      %add3A_149 = arith.addi %mul3A_147, %add3A_148 : i32
      %ge3A_150 = arith.constant 2 : i32
      %ge3A_151 = arith.cmpi sge, %add3A_149, %ge3A_150 : i32
      %convert_element_type3A_152 = arith.extui %ge3A_151 : i1 to i32
      %cond3A_153 = arith.constant 0 : i32
      %cond3A_154 = arith.cmpi ne, %convert_element_type3A_152, %cond3A_153 : i32
      scf.if %cond3A_154 {
        %dma_wait3A_205 = arith.constant 1 : i32
        %dma_wait3A_206 = arith.constant 0 : i32
        %dma_wait3A_207 = tpu.memref_slice %arg6[%dma_wait3A_205, %dma_wait3A_206] : memref<2x128xi32, #tpu.memory_space<vmem>> -> memref<1x128xi32, #tpu.memory_space<vmem>>
        %dma_wait3A_208 = tpu.memref_squeeze %dma_wait3A_207 : memref<1x128xi32, #tpu.memory_space<vmem>> -> memref<128xi32, #tpu.memory_space<vmem>>
        %dma_wait3A_209 = arith.constant 0 : i32
        %dma_wait3A_210 = arith.constant 0 : i32
        %dma_wait3A_211 = tpu.memref_slice %arg5[%dma_wait3A_209, %dma_wait3A_210] : memref<10112x128xf32, #tpu.memory_space<vmem_shared>> -> memref<10112x128xf32, #tpu.memory_space<vmem_shared>>
        tpu.wait_indirect_dma semaphore(%arg14 : memref<!tpu.dma_semaphore, #tpu.memory_space<semaphore_mem>>) src(%arg10 : memref<128x128xf32, #tpu.memory_space<vmem>>) dst(%dma_wait3A_211 : memref<10112x128xf32, #tpu.memory_space<vmem_shared>>)
        %add3A_212 = arith.constant 2 : i32
        %add3A_213 = arith.addi %add3A_149, %add3A_212 : i32
        %lt3A = arith.constant 80 : i32
        %lt3A_214 = arith.cmpi slt, %add3A_213, %lt3A : i32
        %convert_element_type3A_215 = arith.extui %lt3A_214 : i1 to i32
        %cond3A_216 = arith.constant 0 : i32
        %cond3A_217 = arith.cmpi ne, %convert_element_type3A_215, %cond3A_216 : i32
        scf.if %cond3A_217 {
          %add3A_218 = arith.constant 2 : i32
          %add3A_219 = arith.addi %add3A_149, %add3A_218 : i32
          %dma_start3A_220 = arith.constant 0 : i32
          %dma_start3A_221 = arith.constant 0 : i32
          %dma_start3A_222 = tpu.memref_slice %arg3[%add3A, %add3A_219, %dma_start3A_220, %dma_start3A_221] : memref<32x80x2x128xi32, #tpu.memory_space<hbm>> -> memref<1x1x2x128xi32, #tpu.memory_space<hbm>>
          %dma_start3A_223 = tpu.memref_squeeze %dma_start3A_222 : memref<1x1x2x128xi32, #tpu.memory_space<hbm>> -> memref<2x128xi32, #tpu.memory_space<hbm>>
          %dma_start3A_224 = arith.constant 0 : i32
          %dma_start3A_225 = arith.constant 0 : i32
          %dma_start3A_226 = tpu.memref_slice %arg3[%add3A, %add3A_219, %dma_start3A_224, %dma_start3A_225] : memref<32x80x2x128xi32, #tpu.memory_space<hbm>> -> memref<1x1x2x128xi32, #tpu.memory_space<hbm>>
          %dma_start3A_227 = tpu.memref_squeeze %dma_start3A_226 : memref<1x1x2x128xi32, #tpu.memory_space<hbm>> -> memref<2x128xi32, #tpu.memory_space<hbm>>
          tpu.enqueue_dma source(%dma_start3A_227 : memref<2x128xi32, #tpu.memory_space<hbm>>) target(%arg6 : memref<2x128xi32, #tpu.memory_space<vmem>>) target_semaphore(%arg16 : memref<!tpu.dma_semaphore, #tpu.memory_space<semaphore_mem>>)
        } else {
        }
      } else {
      }
      %dma_wait3A_155 = arith.constant 0 : i32
      %dma_wait3A_156 = arith.constant 0 : i32
      %dma_wait3A_157 = tpu.memref_slice %arg3[%add3A, %add3A_149, %dma_wait3A_155, %dma_wait3A_156] : memref<32x80x2x128xi32, #tpu.memory_space<hbm>> -> memref<1x1x2x128xi32, #tpu.memory_space<hbm>>
      %dma_wait3A_158 = tpu.memref_squeeze %dma_wait3A_157 : memref<1x1x2x128xi32, #tpu.memory_space<hbm>> -> memref<2x128xi32, #tpu.memory_space<hbm>>
      %dma_wait3A_159 = arith.constant 0 : i32
      %dma_wait3A_160 = arith.constant 0 : i32
      %dma_wait3A_161 = tpu.memref_slice %arg3[%add3A, %add3A_149, %dma_wait3A_159, %dma_wait3A_160] : memref<32x80x2x128xi32, #tpu.memory_space<hbm>> -> memref<1x1x2x128xi32, #tpu.memory_space<hbm>>
      %dma_wait3A_162 = tpu.memref_squeeze %dma_wait3A_161 : memref<1x1x2x128xi32, #tpu.memory_space<hbm>> -> memref<2x128xi32, #tpu.memory_space<hbm>>
      tpu.wait_dma2 semaphore(%arg18 : memref<!tpu.dma_semaphore, #tpu.memory_space<semaphore_mem>>) src(%dma_wait3A_162 : memref<2x128xi32, #tpu.memory_space<hbm>>) dst(%arg8 : memref<2x128xi32, #tpu.memory_space<vmem>>)
      %dma_start3A_163 = arith.constant 0 : i32
      %dma_start3A_164 = arith.constant 0 : i32
      %dma_start3A_165 = tpu.memref_slice %arg8[%dma_start3A_163, %dma_start3A_164] : memref<2x128xi32, #tpu.memory_space<vmem>> -> memref<1x128xi32, #tpu.memory_space<vmem>>
      %dma_start3A_166 = tpu.memref_squeeze %dma_start3A_165 : memref<1x128xi32, #tpu.memory_space<vmem>> -> memref<128xi32, #tpu.memory_space<vmem>>
      %dma_start3A_167 = arith.constant 0 : i32
      %dma_start3A_168 = arith.constant 0 : i32
      %dma_start3A_169 = tpu.memref_slice %arg2[%dma_start3A_167, %dma_start3A_168] : memref<10112x128xf32, #tpu.memory_space<hbm>> -> memref<10112x128xf32, #tpu.memory_space<hbm>>
      tpu.enqueue_indirect_dma source(%dma_start3A_169 : memref<10112x128xf32, #tpu.memory_space<hbm>>) target(%arg10 : memref<128x128xf32, #tpu.memory_space<vmem>>) offsets(%dma_start3A_166 : memref<128xi32, #tpu.memory_space<vmem>>) semaphore(%arg12 : memref<!tpu.dma_semaphore, #tpu.memory_space<semaphore_mem>>)
      %ge3A_170 = arith.constant 1 : i32
      %ge3A_171 = arith.cmpi sge, %add3A_149, %ge3A_170 : i32
      %convert_element_type3A_172 = arith.extui %ge3A_171 : i1 to i32
      %cond3A_173 = arith.constant 0 : i32
      %cond3A_174 = arith.cmpi ne, %convert_element_type3A_172, %cond3A_173 : i32
      scf.if %cond3A_174 {
        %dma_wait3A_205 = arith.constant 0 : i32
        %dma_wait3A_206 = arith.constant 0 : i32
        %dma_wait3A_207 = tpu.memref_slice %arg7[%dma_wait3A_205, %dma_wait3A_206] : memref<2x128xi32, #tpu.memory_space<vmem>> -> memref<1x128xi32, #tpu.memory_space<vmem>>
        %dma_wait3A_208 = tpu.memref_squeeze %dma_wait3A_207 : memref<1x128xi32, #tpu.memory_space<vmem>> -> memref<128xi32, #tpu.memory_space<vmem>>
        %dma_wait3A_209 = arith.constant 0 : i32
        %dma_wait3A_210 = arith.constant 0 : i32
        %dma_wait3A_211 = tpu.memref_slice %arg2[%dma_wait3A_209, %dma_wait3A_210] : memref<10112x128xf32, #tpu.memory_space<hbm>> -> memref<10112x128xf32, #tpu.memory_space<hbm>>
        tpu.wait_indirect_dma semaphore(%arg13 : memref<!tpu.dma_semaphore, #tpu.memory_space<semaphore_mem>>) src(%dma_wait3A_211 : memref<10112x128xf32, #tpu.memory_space<hbm>>) dst(%arg11 : memref<128x128xf32, #tpu.memory_space<vmem>>)
        %dma_start3A_212 = arith.constant 1 : i32
        %dma_start3A_213 = arith.constant 0 : i32
        %dma_start3A_214 = tpu.memref_slice %arg7[%dma_start3A_212, %dma_start3A_213] : memref<2x128xi32, #tpu.memory_space<vmem>> -> memref<1x128xi32, #tpu.memory_space<vmem>>
        %dma_start3A_215 = tpu.memref_squeeze %dma_start3A_214 : memref<1x128xi32, #tpu.memory_space<vmem>> -> memref<128xi32, #tpu.memory_space<vmem>>
        %dma_start3A_216 = arith.constant 0 : i32
        %dma_start3A_217 = arith.constant 0 : i32
        %dma_start3A_218 = tpu.memref_slice %arg5[%dma_start3A_216, %dma_start3A_217] : memref<10112x128xf32, #tpu.memory_space<vmem_shared>> -> memref<10112x128xf32, #tpu.memory_space<vmem_shared>>
        tpu.enqueue_indirect_dma source(%arg11 : memref<128x128xf32, #tpu.memory_space<vmem>>) target(%dma_start3A_218 : memref<10112x128xf32, #tpu.memory_space<vmem_shared>>) offsets(%dma_start3A_215 : memref<128xi32, #tpu.memory_space<vmem>>) semaphore(%arg15 : memref<!tpu.dma_semaphore, #tpu.memory_space<semaphore_mem>>) {add = true}
      } else {
      }
      %mul3A_175 = arith.constant 4 : i32
      %mul3A_176 = arith.muli %mul3A_175, %scan3A_89 : i32
      %add3A_177 = arith.constant 3 : i32
      %add3A_178 = arith.addi %mul3A_176, %add3A_177 : i32
      %ge3A_179 = arith.constant 2 : i32
      %ge3A_180 = arith.cmpi sge, %add3A_178, %ge3A_179 : i32
      %convert_element_type3A_181 = arith.extui %ge3A_180 : i1 to i32
      %cond3A_182 = arith.constant 0 : i32
      %cond3A_183 = arith.cmpi ne, %convert_element_type3A_181, %cond3A_182 : i32
      scf.if %cond3A_183 {
        %dma_wait3A_205 = arith.constant 1 : i32
        %dma_wait3A_206 = arith.constant 0 : i32
        %dma_wait3A_207 = tpu.memref_slice %arg7[%dma_wait3A_205, %dma_wait3A_206] : memref<2x128xi32, #tpu.memory_space<vmem>> -> memref<1x128xi32, #tpu.memory_space<vmem>>
        %dma_wait3A_208 = tpu.memref_squeeze %dma_wait3A_207 : memref<1x128xi32, #tpu.memory_space<vmem>> -> memref<128xi32, #tpu.memory_space<vmem>>
        %dma_wait3A_209 = arith.constant 0 : i32
        %dma_wait3A_210 = arith.constant 0 : i32
        %dma_wait3A_211 = tpu.memref_slice %arg5[%dma_wait3A_209, %dma_wait3A_210] : memref<10112x128xf32, #tpu.memory_space<vmem_shared>> -> memref<10112x128xf32, #tpu.memory_space<vmem_shared>>
        tpu.wait_indirect_dma semaphore(%arg15 : memref<!tpu.dma_semaphore, #tpu.memory_space<semaphore_mem>>) src(%arg11 : memref<128x128xf32, #tpu.memory_space<vmem>>) dst(%dma_wait3A_211 : memref<10112x128xf32, #tpu.memory_space<vmem_shared>>)
        %add3A_212 = arith.constant 2 : i32
        %add3A_213 = arith.addi %add3A_178, %add3A_212 : i32
        %lt3A = arith.constant 80 : i32
        %lt3A_214 = arith.cmpi slt, %add3A_213, %lt3A : i32
        %convert_element_type3A_215 = arith.extui %lt3A_214 : i1 to i32
        %cond3A_216 = arith.constant 0 : i32
        %cond3A_217 = arith.cmpi ne, %convert_element_type3A_215, %cond3A_216 : i32
        scf.if %cond3A_217 {
          %add3A_218 = arith.constant 2 : i32
          %add3A_219 = arith.addi %add3A_178, %add3A_218 : i32
          %dma_start3A_220 = arith.constant 0 : i32
          %dma_start3A_221 = arith.constant 0 : i32
          %dma_start3A_222 = tpu.memref_slice %arg3[%add3A, %add3A_219, %dma_start3A_220, %dma_start3A_221] : memref<32x80x2x128xi32, #tpu.memory_space<hbm>> -> memref<1x1x2x128xi32, #tpu.memory_space<hbm>>
          %dma_start3A_223 = tpu.memref_squeeze %dma_start3A_222 : memref<1x1x2x128xi32, #tpu.memory_space<hbm>> -> memref<2x128xi32, #tpu.memory_space<hbm>>
          %dma_start3A_224 = arith.constant 0 : i32
          %dma_start3A_225 = arith.constant 0 : i32
          %dma_start3A_226 = tpu.memref_slice %arg3[%add3A, %add3A_219, %dma_start3A_224, %dma_start3A_225] : memref<32x80x2x128xi32, #tpu.memory_space<hbm>> -> memref<1x1x2x128xi32, #tpu.memory_space<hbm>>
          %dma_start3A_227 = tpu.memref_squeeze %dma_start3A_226 : memref<1x1x2x128xi32, #tpu.memory_space<hbm>> -> memref<2x128xi32, #tpu.memory_space<hbm>>
          tpu.enqueue_dma source(%dma_start3A_227 : memref<2x128xi32, #tpu.memory_space<hbm>>) target(%arg7 : memref<2x128xi32, #tpu.memory_space<vmem>>) target_semaphore(%arg17 : memref<!tpu.dma_semaphore, #tpu.memory_space<semaphore_mem>>)
        } else {
        }
      } else {
      }
      %dma_wait3A_184 = arith.constant 0 : i32
      %dma_wait3A_185 = arith.constant 0 : i32
      %dma_wait3A_186 = tpu.memref_slice %arg3[%add3A, %add3A_178, %dma_wait3A_184, %dma_wait3A_185] : memref<32x80x2x128xi32, #tpu.memory_space<hbm>> -> memref<1x1x2x128xi32, #tpu.memory_space<hbm>>
      %dma_wait3A_187 = tpu.memref_squeeze %dma_wait3A_186 : memref<1x1x2x128xi32, #tpu.memory_space<hbm>> -> memref<2x128xi32, #tpu.memory_space<hbm>>
      %dma_wait3A_188 = arith.constant 0 : i32
      %dma_wait3A_189 = arith.constant 0 : i32
      %dma_wait3A_190 = tpu.memref_slice %arg3[%add3A, %add3A_178, %dma_wait3A_188, %dma_wait3A_189] : memref<32x80x2x128xi32, #tpu.memory_space<hbm>> -> memref<1x1x2x128xi32, #tpu.memory_space<hbm>>
      %dma_wait3A_191 = tpu.memref_squeeze %dma_wait3A_190 : memref<1x1x2x128xi32, #tpu.memory_space<hbm>> -> memref<2x128xi32, #tpu.memory_space<hbm>>
      tpu.wait_dma2 semaphore(%arg19 : memref<!tpu.dma_semaphore, #tpu.memory_space<semaphore_mem>>) src(%dma_wait3A_191 : memref<2x128xi32, #tpu.memory_space<hbm>>) dst(%arg9 : memref<2x128xi32, #tpu.memory_space<vmem>>)
      %dma_start3A_192 = arith.constant 0 : i32
      %dma_start3A_193 = arith.constant 0 : i32
      %dma_start3A_194 = tpu.memref_slice %arg9[%dma_start3A_192, %dma_start3A_193] : memref<2x128xi32, #tpu.memory_space<vmem>> -> memref<1x128xi32, #tpu.memory_space<vmem>>
      %dma_start3A_195 = tpu.memref_squeeze %dma_start3A_194 : memref<1x128xi32, #tpu.memory_space<vmem>> -> memref<128xi32, #tpu.memory_space<vmem>>
      %dma_start3A_196 = arith.constant 0 : i32
      %dma_start3A_197 = arith.constant 0 : i32
      %dma_start3A_198 = tpu.memref_slice %arg2[%dma_start3A_196, %dma_start3A_197] : memref<10112x128xf32, #tpu.memory_space<hbm>> -> memref<10112x128xf32, #tpu.memory_space<hbm>>
      tpu.enqueue_indirect_dma source(%dma_start3A_198 : memref<10112x128xf32, #tpu.memory_space<hbm>>) target(%arg11 : memref<128x128xf32, #tpu.memory_space<vmem>>) offsets(%dma_start3A_195 : memref<128xi32, #tpu.memory_space<vmem>>) semaphore(%arg13 : memref<!tpu.dma_semaphore, #tpu.memory_space<semaphore_mem>>)
      %ge3A_199 = arith.constant 1 : i32
      %ge3A_200 = arith.cmpi sge, %add3A_178, %ge3A_199 : i32
      %convert_element_type3A_201 = arith.extui %ge3A_200 : i1 to i32
      %cond3A_202 = arith.constant 0 : i32
      %cond3A_203 = arith.cmpi ne, %convert_element_type3A_201, %cond3A_202 : i32
      scf.if %cond3A_203 {
        %dma_wait3A_205 = arith.constant 0 : i32
        %dma_wait3A_206 = arith.constant 0 : i32
        %dma_wait3A_207 = tpu.memref_slice %arg8[%dma_wait3A_205, %dma_wait3A_206] : memref<2x128xi32, #tpu.memory_space<vmem>> -> memref<1x128xi32, #tpu.memory_space<vmem>>
        %dma_wait3A_208 = tpu.memref_squeeze %dma_wait3A_207 : memref<1x128xi32, #tpu.memory_space<vmem>> -> memref<128xi32, #tpu.memory_space<vmem>>
        %dma_wait3A_209 = arith.constant 0 : i32
        %dma_wait3A_210 = arith.constant 0 : i32
        %dma_wait3A_211 = tpu.memref_slice %arg2[%dma_wait3A_209, %dma_wait3A_210] : memref<10112x128xf32, #tpu.memory_space<hbm>> -> memref<10112x128xf32, #tpu.memory_space<hbm>>
        tpu.wait_indirect_dma semaphore(%arg12 : memref<!tpu.dma_semaphore, #tpu.memory_space<semaphore_mem>>) src(%dma_wait3A_211 : memref<10112x128xf32, #tpu.memory_space<hbm>>) dst(%arg10 : memref<128x128xf32, #tpu.memory_space<vmem>>)
        %dma_start3A_212 = arith.constant 1 : i32
        %dma_start3A_213 = arith.constant 0 : i32
        %dma_start3A_214 = tpu.memref_slice %arg8[%dma_start3A_212, %dma_start3A_213] : memref<2x128xi32, #tpu.memory_space<vmem>> -> memref<1x128xi32, #tpu.memory_space<vmem>>
        %dma_start3A_215 = tpu.memref_squeeze %dma_start3A_214 : memref<1x128xi32, #tpu.memory_space<vmem>> -> memref<128xi32, #tpu.memory_space<vmem>>
        %dma_start3A_216 = arith.constant 0 : i32
        %dma_start3A_217 = arith.constant 0 : i32
        %dma_start3A_218 = tpu.memref_slice %arg5[%dma_start3A_216, %dma_start3A_217] : memref<10112x128xf32, #tpu.memory_space<vmem_shared>> -> memref<10112x128xf32, #tpu.memory_space<vmem_shared>>
        tpu.enqueue_indirect_dma source(%arg10 : memref<128x128xf32, #tpu.memory_space<vmem>>) target(%dma_start3A_218 : memref<10112x128xf32, #tpu.memory_space<vmem_shared>>) offsets(%dma_start3A_215 : memref<128xi32, #tpu.memory_space<vmem>>) semaphore(%arg14 : memref<!tpu.dma_semaphore, #tpu.memory_space<semaphore_mem>>) {add = true}
      } else {
      }
      %scan3A_204 = arith.constant 0 : i32
      scf.yield %scan3A_204 : i32
    }
    %scan3A_60 = arith.constant 20 : i32
    %dma_wait3A = arith.constant 0 : i32
    %dma_wait3A_61 = arith.constant 0 : i32
    %dma_wait3A_62 = tpu.memref_slice %arg9[%dma_wait3A, %dma_wait3A_61] : memref<2x128xi32, #tpu.memory_space<vmem>> -> memref<1x128xi32, #tpu.memory_space<vmem>>
    %dma_wait3A_63 = tpu.memref_squeeze %dma_wait3A_62 : memref<1x128xi32, #tpu.memory_space<vmem>> -> memref<128xi32, #tpu.memory_space<vmem>>
    %dma_wait3A_64 = arith.constant 0 : i32
    %dma_wait3A_65 = arith.constant 0 : i32
    %dma_wait3A_66 = tpu.memref_slice %arg2[%dma_wait3A_64, %dma_wait3A_65] : memref<10112x128xf32, #tpu.memory_space<hbm>> -> memref<10112x128xf32, #tpu.memory_space<hbm>>
    tpu.wait_indirect_dma semaphore(%arg13 : memref<!tpu.dma_semaphore, #tpu.memory_space<semaphore_mem>>) src(%dma_wait3A_66 : memref<10112x128xf32, #tpu.memory_space<hbm>>) dst(%arg11 : memref<128x128xf32, #tpu.memory_space<vmem>>)
    %dma_start3A_67 = arith.constant 1 : i32
    %dma_start3A_68 = arith.constant 0 : i32
    %dma_start3A_69 = tpu.memref_slice %arg9[%dma_start3A_67, %dma_start3A_68] : memref<2x128xi32, #tpu.memory_space<vmem>> -> memref<1x128xi32, #tpu.memory_space<vmem>>
    %dma_start3A_70 = tpu.memref_squeeze %dma_start3A_69 : memref<1x128xi32, #tpu.memory_space<vmem>> -> memref<128xi32, #tpu.memory_space<vmem>>
    %dma_start3A_71 = arith.constant 0 : i32
    %dma_start3A_72 = arith.constant 0 : i32
    %dma_start3A_73 = tpu.memref_slice %arg5[%dma_start3A_71, %dma_start3A_72] : memref<10112x128xf32, #tpu.memory_space<vmem_shared>> -> memref<10112x128xf32, #tpu.memory_space<vmem_shared>>
    tpu.enqueue_indirect_dma source(%arg11 : memref<128x128xf32, #tpu.memory_space<vmem>>) target(%dma_start3A_73 : memref<10112x128xf32, #tpu.memory_space<vmem_shared>>) offsets(%dma_start3A_70 : memref<128xi32, #tpu.memory_space<vmem>>) semaphore(%arg15 : memref<!tpu.dma_semaphore, #tpu.memory_space<semaphore_mem>>) {add = true}
    %dma_wait3A_74 = arith.constant 1 : i32
    %dma_wait3A_75 = arith.constant 0 : i32
    %dma_wait3A_76 = tpu.memref_slice %arg8[%dma_wait3A_74, %dma_wait3A_75] : memref<2x128xi32, #tpu.memory_space<vmem>> -> memref<1x128xi32, #tpu.memory_space<vmem>>
    %dma_wait3A_77 = tpu.memref_squeeze %dma_wait3A_76 : memref<1x128xi32, #tpu.memory_space<vmem>> -> memref<128xi32, #tpu.memory_space<vmem>>
    %dma_wait3A_78 = arith.constant 0 : i32
    %dma_wait3A_79 = arith.constant 0 : i32
    %dma_wait3A_80 = tpu.memref_slice %arg5[%dma_wait3A_78, %dma_wait3A_79] : memref<10112x128xf32, #tpu.memory_space<vmem_shared>> -> memref<10112x128xf32, #tpu.memory_space<vmem_shared>>
    tpu.wait_indirect_dma semaphore(%arg14 : memref<!tpu.dma_semaphore, #tpu.memory_space<semaphore_mem>>) src(%arg10 : memref<128x128xf32, #tpu.memory_space<vmem>>) dst(%dma_wait3A_80 : memref<10112x128xf32, #tpu.memory_space<vmem_shared>>)
    %dma_wait3A_81 = arith.constant 1 : i32
    %dma_wait3A_82 = arith.constant 0 : i32
    %dma_wait3A_83 = tpu.memref_slice %arg9[%dma_wait3A_81, %dma_wait3A_82] : memref<2x128xi32, #tpu.memory_space<vmem>> -> memref<1x128xi32, #tpu.memory_space<vmem>>
    %dma_wait3A_84 = tpu.memref_squeeze %dma_wait3A_83 : memref<1x128xi32, #tpu.memory_space<vmem>> -> memref<128xi32, #tpu.memory_space<vmem>>
    %dma_wait3A_85 = arith.constant 0 : i32
    %dma_wait3A_86 = arith.constant 0 : i32
    %dma_wait3A_87 = tpu.memref_slice %arg5[%dma_wait3A_85, %dma_wait3A_86] : memref<10112x128xf32, #tpu.memory_space<vmem_shared>> -> memref<10112x128xf32, #tpu.memory_space<vmem_shared>>
    tpu.wait_indirect_dma semaphore(%arg15 : memref<!tpu.dma_semaphore, #tpu.memory_space<semaphore_mem>>) src(%arg11 : memref<128x128xf32, #tpu.memory_space<vmem>>) dst(%dma_wait3A_87 : memref<10112x128xf32, #tpu.memory_space<vmem_shared>>)
    %barrier3A_88 = arith.constant 0 : index
    tpu.barrier barrier_id(%barrier3A_88)
    "tpu.region"() ({
      %run_scoped3A = tpu.sem_alloc : memref<!tpu.dma_semaphore, #tpu.memory_space<semaphore_mem>>
      %dma_start3A_89 = arith.constant 0 : i32
      %dma_start3A_90 = tpu.memref_slice %arg4[%arg0, %mul3A_8, %dma_start3A_89] : memref<2x10112x128xf32, #tpu.memory_space<hbm>> -> memref<1x632x128xf32, #tpu.memory_space<hbm>>
      %dma_start3A_91 = tpu.memref_squeeze %dma_start3A_90 : memref<1x632x128xf32, #tpu.memory_space<hbm>> -> memref<632x128xf32, #tpu.memory_space<hbm>>
      %dma_start3A_92 = arith.constant 0 : i32
      %dma_start3A_93 = tpu.memref_slice %arg5[%mul3A_8, %dma_start3A_92] : memref<10112x128xf32, #tpu.memory_space<vmem_shared>> -> memref<632x128xf32, #tpu.memory_space<vmem_shared>>
      tpu.enqueue_dma source(%dma_start3A_93 : memref<632x128xf32, #tpu.memory_space<vmem_shared>>) target(%dma_start3A_91 : memref<632x128xf32, #tpu.memory_space<hbm>>) target_semaphore(%run_scoped3A : memref<!tpu.dma_semaphore, #tpu.memory_space<semaphore_mem>>)
      %dma_wait3A_94 = arith.constant 0 : i32
      %dma_wait3A_95 = tpu.memref_slice %arg4[%arg0, %mul3A_8, %dma_wait3A_94] : memref<2x10112x128xf32, #tpu.memory_space<hbm>> -> memref<1x632x128xf32, #tpu.memory_space<hbm>>
      %dma_wait3A_96 = tpu.memref_squeeze %dma_wait3A_95 : memref<1x632x128xf32, #tpu.memory_space<hbm>> -> memref<632x128xf32, #tpu.memory_space<hbm>>
      %dma_wait3A_97 = arith.constant 0 : i32
      %dma_wait3A_98 = tpu.memref_slice %arg5[%mul3A_8, %dma_wait3A_97] : memref<10112x128xf32, #tpu.memory_space<vmem_shared>> -> memref<632x128xf32, #tpu.memory_space<vmem_shared>>
      tpu.wait_dma2 semaphore(%run_scoped3A : memref<!tpu.dma_semaphore, #tpu.memory_space<semaphore_mem>>) src(%dma_wait3A_98 : memref<632x128xf32, #tpu.memory_space<vmem_shared>>) dst(%dma_wait3A_96 : memref<632x128xf32, #tpu.memory_space<hbm>>)
      tpu.yield
    }) : () -> ()
    return
  }
}

</mosaic_0001>

<sc_bundles>
// kernel: _prop_call.3.cloned.1.call-start
scs
__scs_entry_jumppad:
0x0: {  	(pc) =	sbr.rel $0x88, $3  }
0x1: {  	(tag) =	ssettag $0x0;
	lr =	simm.s32 $0x1  }
0x2: {  	[smem:$0x3F9F] =	sst lr;
	_ =	strace $0xD0000000  }
0x3: {  	_ = 	snop  }
0x4: {  	_ = 	snop  }
0x5: {  	_ = 	snop  }
0x6: {  	_ = 	snop  }
0x7: {  	_ = 	snop  }
__scs_overlays_trampoline_lowered:
0x8: {  	[smem:$0x3FAE] =	sst s0  }
0x9: {  	[smem:$0x3FAF] =	sst s1  }
0xa: {  	[smem:$0x3FB0] =	sst s2  }
0xb: {  	[smem:$0x3FB1] =	sst s3  }
0xc: {  	[smem:$0x3FB2] =	sst s4  }
0xd: {  	[smem:$0x3FB3] =	sst s5  }
0xe: {  	[smem:$0x3FB4] =	sst s6  }
0xf: {  	[smem:$0x3FB5] =	sst s7  }
0x10: {  	[smem:$0x3FB6] =	sst s8  }
0x11: {  	[smem:$0x3FB7] =	sst s9;
	s0 =	simm.s32 @!p0 $0x0  }
0x12: {  	s1 =	sld [smem:$0x3F9D];
	s0 =	simm.s32 @p0 $0x1  }
0x13: {  	[smem:$0x3FB8] =	sst s0;
	s0 =	simm.s32 @!p1 $0x0  }
0x14: {  	s2 =	sld [smem:$0x3F9C];
	s0 =	simm.s32 @p1 $0x1  }
0x15: {  	[smem:$0x3FB9] =	sst s0;
	s0 =	simm.s32 @!p2 $0x0  }
0x16: {  	s3 =	sld [smem:$0x3FDB];
	s0 =	simm.s32 @p2 $0x1  }
0x17: {  	s4 =	simm.s32 $0x1BF5;
	[smem:$0x3FBB] =	sst s0  }
0x18: {  	s0 =	sld [smem:$0x3F9E];
	_ =	swait.ge [sflag:s4], $0x0  }
0x19: {  	s7 =	sld [smem:$0x3F9F]  }
0x1a: {  	s8 =	sadd.s32 $0xFFFFE003, lr  }
0x1b: {  	s9 =	sadd.s32 $0xFFFFFEF7, lr;
	s5 =	simm.s32 $0xFFFFFFFF;
	p2 =	slt.u32 s8, $0xFFFFF086  }
0x1c: {  	p1 =	slt.u32 s9, $0xF7A;
	s5 =	simm.s32 @!p2 $0x0  }
0x1d: {  	s5 =	simm.s32 @p1 $0x1;
	p0 =	seq.s32 s7, s2  }
0x1e: {  	s7 =	smul.u32 @!p0 $0xF7A, s2;
	p2 =	seq.s32 @!p0 s5, $0x0  }
0x1f: {  	s9 =	smul.u32 $0xF7A, s1;
	s8 =	simm.s32 @!p0 $0x1BF5;
	p2 =	por !p2, p0  }
0x20: {  	[sflag:s8] =	ssyncset.s32 @!p0 $0xFFFFF086;
	s6 =	sadd.s32 @!p0 s3, s7;
	s7 =	simm.s32 @!p0 $0x108  }
0x21: {  	s3 =	sadd.s32 s3, s9;
	s6 =	sadd.s32 @!p0 $0x88, s6;
	s7 =	simm.s32 @p2 $0x1082  }
0x22: {  	[simem:s7], [sflag:s8] =	dma.local @!p0 [hbm:s6], $0xF7A  }
0x23: {  	s9 =	sor.u32 $0xD0000000, s2;
	s6 =	simm.s32 $0x108;
	_ =	swait.ge @!p0 [sflag:s8], $0x0  }
0x24: {  	s3 =	sadd.s32 $0x88, s3;
	s6 =	simm.s32 @!p1 $0x1082;
	[sflag:s4] =	ssyncset.s32 $0xFFFFF086  }
0x25: {  	[simem:s6], [sflag:s4] =	dma.local [hbm:s3], $0xF7A  }
0x26: {  	[smem:$0x3F9F] =	sst s1;
	(tag) =	ssettag s2;
	_ =	strace s9  }
0x27: {  	s1 =	sld [smem:$0x3FAF]  }
0x28: {  	s2 =	sld [smem:$0x3FB0]  }
0x29: {  	s4 =	sld [smem:$0x3FB2]  }
0x2a: {  	p0 =	seq.s32 s5, $0x0;
	s5 =	sld [smem:$0x3FB3]  }
0x2b: {  	s6 =	sld [smem:$0x3FB4]  }
0x2c: {  	s7 =	sld [smem:$0x3FB5]  }
0x2d: {  	s3 =	simm.s32 $0x108;
	s8 =	sld [smem:$0x3FB6]  }
0x2e: {  	s3 =	simm.s32 @!p0 $0x1082;
	s9 =	sld [smem:$0x3FB7]  }
0x2f: {  	lr =	sadd.s32 s0, s3;
	s0 =	sld [smem:$0x3FAE]  }
0x30: {  	s3 =	sld [smem:$0x3FB1]  }
0x31: {  	[smem:$0x3FBA] =	sst s10  }
0x32: {  	s10 =	sld [smem:$0x3FB8];
	_ =	sdelay $0x3  }
0x33: {  	p0 =	seq.s32 s10, $0x1;
	s10 =	sld [smem:$0x3FBA];
	_ =	sdelay $0x3  }
0x34: {  	[smem:$0x3FBA] =	sst s10  }
0x35: {  	s10 =	sld [smem:$0x3FB9];
	_ =	sdelay $0x3  }
0x36: {  	p1 =	seq.s32 s10, $0x1;
	s10 =	sld [smem:$0x3FBA];
	_ =	sdelay $0x3  }
0x37: {  	[smem:$0x3FBA] =	sst s10  }
0x38: {  	s10 =	sld [smem:$0x3FBB]  }
0x39: {  	_ = 	snop;
	(pc) =	sbr.ind lr, $3  }
0x3a: {  	_ = 	snop  }
0x3b: {  	_ = 	snop  }
0x3c: {  	p2 =	seq.s32 s10, $0x1;
	s10 =	sld [smem:$0x3FBA]  }
0x3d: {  	_ =	shalt  }
0x3e: {  	_ =	shalt  }
0x3f: {  	_ =	shalt  }
0x40: {  	_ =	shalt  }
0x41: {  	_ =	shalt  }
0x42: {  	_ =	shalt  }
0x43: {  	_ =	shalt  }
0x44: {  	_ =	shalt  }
0x45: {  	_ =	shalt  }
0x46: {  	_ =	shalt  }
0x47: {  	_ =	shalt  }
0x48: {  	_ =	shalt  }
0x49: {  	_ =	shalt  }
0x4a: {  	_ =	shalt  }
0x4b: {  	_ =	shalt  }
0x4c: {  	_ =	shalt  }
0x4d: {  	_ =	shalt  }
0x4e: {  	_ =	shalt  }
0x4f: {  	_ =	shalt  }
0x50: {  	_ =	shalt  }
0x51: {  	_ =	shalt  }
0x52: {  	_ =	shalt  }
0x53: {  	_ =	shalt  }
0x54: {  	_ =	shalt  }
0x55: {  	_ =	shalt  }
0x56: {  	_ =	shalt  }
0x57: {  	_ =	shalt  }
0x58: {  	_ =	shalt  }
0x59: {  	_ =	shalt  }
0x5a: {  	_ =	shalt  }
0x5b: {  	_ =	shalt  }
0x5c: {  	_ =	shalt  }
0x5d: {  	_ =	shalt  }
0x5e: {  	_ =	shalt  }
0x5f: {  	_ =	shalt  }
0x60: {  	_ =	shalt  }
0x61: {  	_ =	shalt  }
0x62: {  	_ =	shalt  }
0x63: {  	_ =	shalt  }
0x64: {  	_ =	shalt  }
0x65: {  	_ =	shalt  }
0x66: {  	_ =	shalt  }
0x67: {  	_ =	shalt  }
0x68: {  	_ =	shalt  }
0x69: {  	_ =	shalt  }
0x6a: {  	_ =	shalt  }
0x6b: {  	_ =	shalt  }
0x6c: {  	_ =	shalt  }
0x6d: {  	_ =	shalt  }
0x6e: {  	_ =	shalt  }
0x6f: {  	_ =	shalt  }
0x70: {  	_ =	shalt  }
0x71: {  	_ =	shalt  }
0x72: {  	_ =	shalt  }
0x73: {  	_ =	shalt  }
0x74: {  	_ =	shalt  }
0x75: {  	_ =	shalt  }
0x76: {  	_ =	shalt  }
0x77: {  	_ =	shalt  }
0x78: {  	_ =	shalt  }
0x79: {  	_ =	shalt  }
0x7a: {  	_ =	shalt  }
0x7b: {  	_ =	shalt  }
0x7c: {  	_ =	shalt  }
0x7d: {  	_ =	shalt  }
0x7e: {  	_ =	shalt  }
0x7f: {  	_ =	shalt  }
0x80: {  	_ =	shalt  }
0x81: {  	_ =	shalt  }
0x82: {  	_ =	shalt  }
0x83: {  	_ =	shalt  }
0x84: {  	_ =	shalt  }
0x85: {  	_ =	shalt  }
0x86: {  	_ =	shalt  }
0x87: {  	_ =	shalt  }
.Lfunc_end0:
.L_simem_size_0:
called_computation_lowered:
.L_overlay_start_0:
0x88: {  	s2 =	sld [smem:$0x3FD9]  }
0x89: {  	s3 =	sld [smem:$0x3FFE];
	_ =	sdelay $0x1  }
0x8a: {  	s1 =	srdreg.scid  }
0x8b: {  	s0 =	sand.u32 $0x1, s1  }
0x8c: {  	s18 =	sshll.u32 s0, $0xA;
	s2 =	sadd.s32 s3, s2  }
0x8d: {  	s2 =	sadd.s32 s2, s18  }
0x8e: {  	[smem:$0x3FC6] =	sst s2  }
0x8f: {  	_ = 	snop  }
0x90: {  	s2 =	sld [smem:$0x3FC9]  }
0x91: {  	s19 =	sld [smem:$0x3FC8]  }
0x92: {  	s4 =	sld [smem:$0x3FD0];
	(tm) =	ssettm $0x1  }
0x93: {  	s5 =	sld [smem:$0x3FFB];
	_ =	sdelay $0x3  }
0x94: {  	_ =	strace s5  }
0x95: {  	s5 =	sld [smem:$0x3FFC];
	_ =	sdelay $0x3  }
0x96: {  	_ =	strace s5  }
0x97: {  	s5 =	sld [smem:$0x3FFD];
	_ =	sdelay $0x3  }
0x98: {  	_ =	strace s5  }
0x99: {  	_ =	strace $0x8FFFFFFF  }
0x9a: {  	s20 =	sld [smem:$0x3FDB];
	_ =	sdelay $0x1  }
0x9b: {  	s6 =	simm.s32 $_scs_section_size  }
0x9c: {  	s7 =	simm.s32 $_size__tile_overlayer_lowered;
	s8 =	simm.s32 $_tile_overlayer_lowered  }
0x9d: {  	s23 =	simm.s32 $0x1BFF;
	s22 =	sshll.u32 s8, $0x1;
	s5 =	sadd.s32 s6, s20  }
0x9e: {  	s9 =	simm.s32 $0x0;
	s21 =	sshll.u32 s7, $0x1;
	s7 =	sadd.s32 s22, s5  }
0x9f: {  	[timem:s9], [sflag:s23] =	dma.local [hbm:s7], s21  }
0xa0: {  	_ =	swait.ge [sflag:s23], s21  }
0xa1: {  	s6 =	ssub.s32 $0x0, s21;
	[sflag:s23] =	ssyncset.done $0x0  }
0xa2: {  	[sflag:s23] =	ssyncadd.s32 s6;
	_ =	sdelay $0x1  }
0xa3: {  	s24 =	simm.s32 $0x1B8B  }
0xa4: {  	_ =	swait.ge [sflag:s24], $0x1  }
0xa5: {  	[sflag:s24] =	ssyncset.done $0x0  }
0xa6: {  	s25 =	simm.s32 $0x1B8E;
	[sflag:s24] =	ssyncadd.s32 $0xFFFFFFFF  }
0xa7: {  	s26 =	simm.s32 $execute0_lowered;
	[smem:$0x3FD2] =	sst s25  }
0xa8: {  	s6 =	sshll.u32 s26, $0x1;
	_ =	strace $0x80000046;
	[dreg:$0x1] =	wrdreg $0xFFFFFFFF  }
0xa9: {  	s28 =	simm.s32 $_size_execute0_lowered;
	s5 =	sadd.s32 s5, s6;
	[dreg:$0x0] =	wrdreg $0x0  }
0xaa: {  	s6 =	sshll.u32 s28, $0x1;
	[dreg:$0x2] =	wrdreg s5  }
0xab: {  	[dreg:$0x3] =	wrdreg s6  }
0xac: {  	[dreg:$0x4] =	wrdreg $0xC0  }
0xad: {  	_ =	task [dreg:s9], $0x5FFFF  }
0xae: {  	[dreg:$0x1] =	wrdreg $0xFFFFFFFF  }
0xaf: {  	[dreg:$0x0] =	wrdreg $0x60  }
0xb0: {  	[dreg:$0x2] =	wrdreg s2  }
0xb1: {  	[dreg:$0x3] =	wrdreg s19  }
0xb2: {  	[dreg:$0x4] =	wrdreg s4  }
0xb3: {  	[dreg:$0x5] =	wrdreg $0x0  }
0xb4: {  	[dreg:$0x6] =	wrdreg $0x9  }
0xb5: {  	_ =	task.clear_ibuf [dreg:s9], $0x7FFFF;
	_ =	strace $0x90000046  }
0xb6: {  	s29 =	simm.s32 $0x9;
	_ =	strace $0x80000048  }
0xb7: {  	_ =	swait.ge [sflag:s29], $0x1  }
0xb8: {  	[sflag:s29] =	ssyncadd.s32 $0xFFFFFFFF  }
0xb9: {  	_ =	strace $0x90000048  }
0xba: {  	_ =	sfence  }
0xbb: {  	s30 =	sld [smem:$0x0];
	_ =	sdelay $0x2  }
0xbc: {  	s31 =	sshll.u32 s1, $0xD;
	s1 =	sshrl.u32 s1, $0x2  }
0xbd: {  	s3 =	sand.u32 $0x4000, s31;
	s1 =	sadd.s32 s1, s30  }
0xbe: {  	s0 =	sor.u32 s3, s0;
	s1 =	sshll.u32 s1, $0x11  }
0xbf: {  	s0 =	sor.u32 s1, s0  }
0xc0: {  	s0 =	sadd.s32 $0x8F2B, s0  }
0xc1: {  	[sflag:s0] =	ssyncadd.remote.s32 $0x1  }
0xc2: {  	_ =	sfence.sel $0xFFFF  }
0xc3: {  	[dreg:$0x0] =	wrdreg $0xFFFFFFFF;
	(pc) =	sbr.abs _section_cstart, $3  }
0xc4: {  	[dreg:$0x1] =	wrdreg $0xFFFFFFFF  }
0xc5: {  	_ =	task.clear_ibuf [dreg:s9], $0x2FFFF;
	_ =	strace $0x9FFFFFFF  }
0xc6: {  	(tm) =	ssettm $0x7FFFFFFF  }
0xc7: {  	_ =	shalt  }
tec
execute0_lowered:
.L_overlay_start_1:
0x0: {  	(tag) =	ssettag $0x1  }
0x1: {  	s1 =	rddreg [dreg:$0x0]  }
0x2: {  	s0 =	rddreg [dreg:$0x1]  }
0x3: {  	s2 =	rddreg [dreg:$0x2]  }
0x4: {  	s3 =	rddreg [dreg:$0x3];
	s4 =	simm.s32 $0x0;
	s5 =	srdreg.scid  }
0x5: {  	s13 =	stileid.u32;
	s24 =	simm.s32 $0x13C80;
	s25 =	simm.s32 $0x13D80  }
0x6: {  	s26 =	simm.s32 $0x13E80;
	s28 =	simm.s32 $0x7;
	s29 =	simm.s32 $0x2  }
0x7: {  	s30 =	simm.s32 $0x4;
	s31 =	simm.s32 $0x8;
	[smem:$0x7FF] =	sst s4  }
0x8: {  	s6 =	sand.u32 $0x1, s5;
	s12 =	smul.u32 $0x4F000, s13;
	_ =	strace $0x80000047  }
0x9: {  	s7 =	sshll.u32 s6, $0x4;
	s11 =	smul.u32 $0x50000, s6;
	[dreg:$0x9] =	wrdreg s24  }
0xa: {  	s8 =	ssub.s32 $0x2, s6;
	s6 =	smul.u32 $0x13C000, s6;
	[dreg:$0xa] =	wrdreg s25  }
0xb: {  	s24 =	simm.s32 $0x18000;
	[dreg:$0xb] =	wrdreg s26;
	s5 =	sshrl.u32 s12, $0x2  }
0xc: {  	s25 =	simm.s32 $0x1;
	s26 =	simm.s32 $0x3;
	s5 =	sadd.s32 s5, s3  }
0xd: {  	s7 =	sor.u32 s13, s7;
	s9 =	sshrl.u32 s8, $0x1;
	s14 =	sadd.s32 $0x4000, s5  }
0xe: {  	s12 =	smul.u32 $0x5000, s13;
	s16 =	sadd.s32 $0x8000, s5;
	[dreg:$0xc] =	wrdreg s14  }
0xf: {  	s10 =	smul.u32 $0x5000, s7;
	s17 =	sadd.s32 $0xC000, s5;
	[dreg:$0xd] =	wrdreg s16  }
0x10: {  	s15 =	ssub.s32 s8, s9;
	s18 =	sadd.s32 $0x10000, s5;
	[dreg:$0xe] =	wrdreg s17  }
0x11: {  	s15 =	smax.u32 s15, $0x1;
	[dreg:$0xf] =	wrdreg s18;
	s10 =	sshrl.u32 s10, $0x3  }
0x12: {  	s14 =	smul.u32 $0x13C00, s13;
	s16 =	sadd.s32 s12, s11;
	s10 =	sadd.s32 s0, s10  }
0x13: {  	s17 =	sor.u32 $0x500, s16;
	s21 =	sor.u32 $0x400, s16;
	s23 =	sor.u32 $0x300, s16  }
0x14: {  	s16 =	sor.u32 $0x200, s16;
	s19 =	sadd.s32 $0x20, s10;
	s12 =	sadd.s32 $0x40, s10  }
0x15: {  	s13 =	sadd.s32 $0x60, s10;
	s6 =	sadd.s32 s14, s6;
	s20 =	sshrl.u32 s17, $0x3  }
0x16: {  	s22 =	sshrl.u32 s21, $0x3;
	s17 =	sshrl.u32 s23, $0x3;
	s16 =	sshrl.u32 s16, $0x3  }
0x17: {  	s21 =	simm.s32 $0x13F00;
	s23 =	simm.s32 $0x80;
	[dreg:$0x10] =	wrdreg s19  }
0x18: {  	s6 =	sshrl.u32 s6, $0x3;
	s14 =	sadd.s32 s20, s0;
	s17 =	sadd.s32 s17, s0  }
0x19: {  	s19 =	simm.s32 $0x13D00;
	s20 =	simm.s32 $0x13E00;
	[dreg:$0x5] =	wrdreg s14  }
0x1a: {  	s14 =	sadd.s32 s22, s0;
	[dreg:$0x7] =	wrdreg s17;
	s0 =	sadd.s32 s16, s0  }
0x1b: {  	s16 =	simm.s32 $0x14000;
	s17 =	simm.s32 $0x9;
	[dreg:$0x6] =	wrdreg s14  }
0x1c: {  	v0 =	vimm.f32 $0.0e+00;
	s22 =	simm.s32 $0x6;
	s14 =	sadd.s32 s2, s6;
	[dreg:$0x8] =	wrdreg s0  }
.LBB2_1:
0x1d: {  	s0 =	simm.s32 $0x0;
	s2 =	simm.s32 $0x200  }
.LBB2_2:
0x1e: {  	p0 =	sne.s32 s2, $0xFE00;
	[tilespmem:s0+$0x14070] =	vst v0  }
0x1f: {  	[tilespmem:s0+$0x14000] =	vst v0  }
0x20: {  	[tilespmem:s0+$0x14010] =	vst v0  }
.Ltmp0:
0x21: {  	[tilespmem:s0+$0x14020] =	vst v0;
	(pc) =	sbr.rel @p0 .LBB2_2-.Ltmp0, $4  }
0x22: {  	[tilespmem:s0+$0x14030] =	vst v0  }
0x23: {  	[tilespmem:s0+$0x14040] =	vst v0  }
0x24: {  	[tilespmem:s0+$0x14050] =	vst v0  }
0x25: {  	[tilespmem:s0+$0x14060] =	vst v0;
	s0 =	sshra.s32 s2, $0x2;
	s2 =	sadd.s32 $0x200, s2  }
0x26: {  	[tilespmem:s0+$0x14070] =	vst v0  }
0x27: {  	[tilespmem:s0+$0x14000] =	vst v0  }
0x28: {  	[tilespmem:s0+$0x14010] =	vst v0  }
0x29: {  	[tilespmem:s0+$0x14020] =	vst v0  }
0x2a: {  	[tilespmem:s0+$0x14030] =	vst v0  }
0x2b: {  	[tilespmem:s0+$0x14040] =	vst v0  }
0x2c: {  	[tilespmem:s0+$0x14050] =	vst v0  }
0x2d: {  	[tilespmem:s0+$0x14060] =	vst v0  }
0x2e: {  	[spmem:s5] =	stream.linear.scatter [tilespmem:s16], [sflag:$0x9], $0x4000, $0x38;
	[tilespmem:$0x1C000] =	vst v63  }
0x2f: {  	_ =	swait.ge [sflag:s17], $0x4000  }
0x30: {  	[sflag:s17] =	ssyncset.done $0x0  }
0x31: {  	s18 =	rddreg [dreg:$0xc];
	[sflag:s17] =	ssyncadd.s32 $0xFFFFC000  }
0x32: {  	[spmem:s18] =	stream.linear.scatter [tilespmem:s16], [sflag:$0x9], $0x4000, $0x38;
	[tilespmem:$0x1C000] =	vst v63  }
0x33: {  	_ =	swait.ge [sflag:s17], $0x4000  }
0x34: {  	[sflag:s17] =	ssyncset.done $0x0  }
0x35: {  	s2 =	rddreg [dreg:$0xd];
	[sflag:s17] =	ssyncadd.s32 $0xFFFFC000  }
0x36: {  	[spmem:s2] =	stream.linear.scatter [tilespmem:s16], [sflag:$0x9], $0x4000, $0x38;
	[tilespmem:$0x1C000] =	vst v63  }
0x37: {  	_ =	swait.ge [sflag:s17], $0x4000  }
0x38: {  	[sflag:s17] =	ssyncset.done $0x0  }
0x39: {  	s6 =	rddreg [dreg:$0xe];
	[sflag:s17] =	ssyncadd.s32 $0xFFFFC000  }
0x3a: {  	[spmem:s6] =	stream.linear.scatter [tilespmem:s16], [sflag:$0x9], $0x4000, $0x38;
	[tilespmem:$0x1C000] =	vst v63  }
0x3b: {  	_ =	swait.ge [sflag:s17], $0x4000  }
0x3c: {  	[sflag:s17] =	ssyncset.done $0x0  }
0x3d: {  	s7 =	rddreg [dreg:$0xf];
	[sflag:s17] =	ssyncadd.s32 $0xFFFFC000  }
0x3e: {  	[spmem:s7] =	stream.linear.scatter [tilespmem:s16], [sflag:$0x9], $0x3C00, $0x38;
	[tilespmem:$0x1C000] =	vst v63  }
0x3f: {  	_ =	swait.ge [sflag:s17], $0x3C00  }
0x40: {  	[sflag:s17] =	ssyncset.done $0x0  }
0x41: {  	[sflag:s17] =	ssyncadd.s32 $0xFFFFC400  }
0x42: {  	s8 =	simm.s32 $0x0;
	s2 =	simm.s32 $0x13C00;
	[bflag:$0x0] =	sbarrier.arrive $0xFFFF  }
0x43: {  	[tilespmem:s2], [sflag:$0x5] =	stream.linear.gather [hbm4b:s10+s8], $0x100, $0x38;
	[tilespmem:$0x1C000] =	vst v63  }
0x44: {  	p0 =	por $0x1, $0x1;
	s9 =	rddreg [dreg:$0x10]  }
0x45: {  	[tilespmem:s19], [sflag:$0x6] =	stream.linear.gather [hbm4b:s9+s8], $0x100, $0x38;
	[tilespmem:$0x1C000] =	vst v63  }
0x46: {  	p0 =	por p0, p0  }
0x47: {  	[tilespmem:s20], [sflag:$0x7] =	stream.linear.gather [hbm4b:s12+s8], $0x100, $0x38;
	[tilespmem:$0x1C000] =	vst v63  }
0x48: {  	s0 =	simm.s32 @p0 $0x5  }
0x49: {  	[tilespmem:s21], [sflag:$0x8] =	stream.linear.gather [hbm4b:s13+s8], $0x100, $0x38;
	[tilespmem:$0x1C000] =	vst v63  }
0x4a: {  	_ =	swait.ge @p0 [sflag:s0], $0x100  }
0x4b: {  	s18 =	simm.s32 @p0 $0x13C00;
	s6 =	simm.s32 @!p0 $0x3;
	[sflag:s0] =	ssyncset.done @p0 $0x0  }
0x4c: {  	s2 =	simm.s32 @p0 $0x14000;
	[sflag:s0] =	ssyncadd.s32 @p0 $0xFFFFFF00;
	s0 =	simm.s32 @p0 $0x80  }
0x4d: {  	[tilespmem:s2], [sflag:$0x1] =	stream.indirect.gather @p0 [hbm4b:s1+s0], $0x80, s18, s0, $0xb8;
	[tilespmem:$0x1C000] =	vst v63  }
0x4e: {  	s2 =	simm.s32 @!p0 $0x13E00;
	_ =	swait.ge @!p0 [sflag:s6], $0x4000  }
0x4f: {  	s18 =	simm.s32 @!p0 $0x5;
	s0 =	rddreg [dreg:$0x8];
	[sflag:s6] =	ssyncset.done @!p0 $0x0  }
0x50: {  	[sflag:s6] =	ssyncadd.s32 @!p0 $0xFFFFC000;
	s0 =	sadd.s32 @!p0 $0x0, s0;
	s6 =	simm.s32 @!p0 $0x0  }
0x51: {  	[tilespmem:s2], [sflag:$0x7] =	stream.linear.gather @!p0 [hbm4b:s0+s6], $0x100, $0x38;
	[tilespmem:$0x1C000] =	vst v63  }
0x52: {  	_ =	swait.ge @!p0 [sflag:s18], $0x100  }
0x53: {  	s0 =	simm.s32 @!p0 $0x14000;
	[sflag:s18] =	ssyncset.done @!p0 $0x0  }
0x54: {  	s2 =	simm.s32 @!p0 $0x80;
	[sflag:s18] =	ssyncadd.s32 @!p0 $0xFFFFFF00;
	s18 =	simm.s32 @!p0 $0x13C00  }
0x55: {  	[tilespmem:s0], [sflag:$0x1] =	stream.indirect.gather @!p0 [hbm4b:s1+s2], $0x80, s18, s2, $0xb8;
	[tilespmem:$0x1C000] =	vst v63  }
0x56: {  	s0 =	simm.s32 @!p0 $0x2  }
0x57: {  	_ =	swait.ge @!p0 [sflag:s0], $0x4000  }
0x58: {  	[sflag:s0] =	ssyncset.done @!p0 $0x0  }
0x59: {  	s18 =	simm.s32 @!p0 $0x18000;
	[sflag:s0] =	ssyncadd.s32 @!p0 $0xFFFFC000;
	s0 =	simm.s32 @!p0 $0x13F80  }
0x5a: {  	[spmem:s3] =	stream.indirect.scatter.add.f32 @!p0 [tilespmem:s18], [sflag:$0x4], $0x80, s0, s2, $0xb8;
	[tilespmem:$0x1C000] =	vst v63  }
0x5b: {  	s0 =	simm.s32 @!p0 $0x4  }
0x5c: {  	_ =	swait.ge @!p0 [sflag:s0], $0x4000  }
0x5d: {  	s2 =	rddreg [dreg:$0x7];
	[sflag:s0] =	ssyncset.done @!p0 $0x0  }
0x5e: {  	[sflag:s0] =	ssyncadd.s32 @!p0 $0xFFFFC000;
	s0 =	sadd.s32 @!p0 $0x0, s2;
	s2 =	simm.s32 @!p0 $0x13F00  }
0x5f: {  	[tilespmem:s2], [sflag:$0x8] =	stream.linear.gather @!p0 [hbm4b:s0+s6], $0x100, $0x38;
	[tilespmem:$0x1C000] =	vst v63  }
0x60: {  	_ =	swait.ge [sflag:s22], $0x100  }
0x61: {  	[sflag:s22] =	ssyncset.done $0x0  }
0x62: {  	[sflag:s22] =	ssyncadd.s32 $0xFFFFFF00  }
0x63: {  	[tilespmem:s24], [sflag:$0x2] =	stream.indirect.gather [hbm4b:s1+s23], $0x80, s19, s23, $0xb8;
	[tilespmem:$0x1C000] =	vst v63  }
0x64: {  	_ =	swait.ge [sflag:s25], $0x4000  }
0x65: {  	[sflag:s25] =	ssyncset.done $0x0  }
0x66: {  	s11 =	rddreg [dreg:$0x9];
	[sflag:s25] =	ssyncadd.s32 $0xFFFFC000  }
0x67: {  	[spmem:s3] =	stream.indirect.scatter.add.f32 [tilespmem:s16], [sflag:$0x3], $0x80, s11, s23, $0xb8;
	[tilespmem:$0x1C000] =	vst v63  }
0x68: {  	p0 =	por $0x0, $0x0;
	_ =	swait.ge [sflag:s26], $0x4000  }
0x69: {  	s2 =	simm.s32 @!p0 $0x0;
	s0 =	rddreg [dreg:$0x6];
	[sflag:s26] =	ssyncset.done $0x0  }
0x6a: {  	s6 =	simm.s32 @!p0 $0x13C00;
	[sflag:s26] =	ssyncadd.s32 $0xFFFFC000;
	s0 =	sadd.s32 @!p0 $0x0, s0  }
0x6b: {  	[tilespmem:s6], [sflag:$0x5] =	stream.linear.gather @!p0 [hbm4b:s0+s2], $0x100, $0x38;
	[tilespmem:$0x1C000] =	vst v63  }
0x6c: {  	_ =	swait.ge [sflag:s28], $0x100  }
0x6d: {  	[sflag:s28] =	ssyncset.done $0x0  }
0x6e: {  	[sflag:s28] =	ssyncadd.s32 $0xFFFFFF00  }
0x6f: {  	[tilespmem:s16], [sflag:$0x1] =	stream.indirect.gather [hbm4b:s1+s23], $0x80, s20, s23, $0xb8;
	[tilespmem:$0x1C000] =	vst v63  }
0x70: {  	_ =	swait.ge [sflag:s29], $0x4000  }
0x71: {  	[sflag:s29] =	ssyncset.done $0x0  }
0x72: {  	s18 =	rddreg [dreg:$0xa];
	[sflag:s29] =	ssyncadd.s32 $0xFFFFC000  }
0x73: {  	[spmem:s3] =	stream.indirect.scatter.add.f32 [tilespmem:s24], [sflag:$0x4], $0x80, s18, s23, $0xb8;
	[tilespmem:$0x1C000] =	vst v63  }
0x74: {  	_ =	swait.ge [sflag:s30], $0x4000  }
0x75: {  	s0 =	rddreg [dreg:$0x5];
	[sflag:s30] =	ssyncset.done $0x0  }
0x76: {  	s6 =	simm.s32 @!p0 $0x13D00;
	[sflag:s30] =	ssyncadd.s32 $0xFFFFC000;
	s0 =	sadd.s32 @!p0 $0x0, s0  }
0x77: {  	[tilespmem:s6], [sflag:$0x6] =	stream.linear.gather @!p0 [hbm4b:s0+s2], $0x100, $0x38;
	[tilespmem:$0x1C000] =	vst v63  }
0x78: {  	_ =	swait.ge [sflag:s31], $0x100  }
0x79: {  	[sflag:s31] =	ssyncset.done $0x0  }
0x7a: {  	[sflag:s31] =	ssyncadd.s32 $0xFFFFFF00  }
0x7b: {  	[tilespmem:s24], [sflag:$0x2] =	stream.indirect.gather [hbm4b:s1+s23], $0x80, s21, s23, $0xb8;
	[tilespmem:$0x1C000] =	vst v63  }
0x7c: {  	p6 =	por $0x0, $0x0;
	_ =	swait.ge [sflag:s25], $0x4000  }
0x7d: {  	s18 =	simm.s32 $0x80;
	s2 =	simm.s32 $0x100;
	[sflag:s25] =	ssyncset.done $0x0  }
0x7e: {  	p0 =	por p6, p6;
	s6 =	rddreg [dreg:$0xb];
	[sflag:s25] =	ssyncadd.s32 $0xFFFFC000  }
.LBB2_4:
0x7f: {  	s7 =	simm.s32 @p0 $0x5  }
0x80: {  	[spmem:s3] =	stream.indirect.scatter.add.f32 [tilespmem:s16], [sflag:$0x3], $0x80, s6, s23, $0xb8;
	[tilespmem:$0x1C000] =	vst v63  }
0x81: {  	_ =	swait.ge @p0 [sflag:s7], $0x100  }
0x82: {  	s6 =	simm.s32 @p0 $0x14000;
	s8 =	simm.s32 @!p0 $0x3;
	[sflag:s7] =	ssyncset.done @p0 $0x0  }
0x83: {  	s9 =	simm.s32 @p0 $0x13C00;
	[sflag:s7] =	ssyncadd.s32 @p0 $0xFFFFFF00;
	s7 =	simm.s32 @p0 $0x80  }
0x84: {  	[tilespmem:s6], [sflag:$0x1] =	stream.indirect.gather @p0 [hbm4b:s1+s7], $0x80, s9, s7, $0xb8;
	[tilespmem:$0x1C000] =	vst v63  }
0x85: {  	s7 =	simm.s32 @!p0 $0x13E00;
	_ =	swait.ge @!p0 [sflag:s8], $0x4000  }
0x86: {  	s9 =	simm.s32 @!p0 $0x5;
	s6 =	rddreg [dreg:$0x8];
	[sflag:s8] =	ssyncset.done @!p0 $0x0  }
0x87: {  	[sflag:s8] =	ssyncadd.s32 @!p0 $0xFFFFC000;
	s6 =	sadd.s32 @!p0 s18, s6;
	s8 =	simm.s32 @!p0 $0x0  }
0x88: {  	[tilespmem:s7], [sflag:$0x7] =	stream.linear.gather @!p0 [hbm4b:s6+s8], $0x100, $0x38;
	[tilespmem:$0x1C000] =	vst v63  }
0x89: {  	_ =	swait.ge @!p0 [sflag:s9], $0x100  }
0x8a: {  	s11 =	simm.s32 @!p0 $0x13C00;
	s6 =	simm.s32 @!p0 $0x14000;
	[sflag:s9] =	ssyncset.done @!p0 $0x0  }
0x8b: {  	s7 =	simm.s32 @!p0 $0x2;
	[sflag:s9] =	ssyncadd.s32 @!p0 $0xFFFFFF00;
	s9 =	simm.s32 @!p0 $0x80  }
0x8c: {  	[tilespmem:s6], [sflag:$0x1] =	stream.indirect.gather @!p0 [hbm4b:s1+s9], $0x80, s11, s9, $0xb8;
	[tilespmem:$0x1C000] =	vst v63  }
0x8d: {  	_ =	swait.ge @!p0 [sflag:s7], $0x4000  }
0x8e: {  	s6 =	simm.s32 @!p0 $0x4;
	[sflag:s7] =	ssyncset.done @!p0 $0x0  }
0x8f: {  	s11 =	simm.s32 @!p0 $0x18000;
	[sflag:s7] =	ssyncadd.s32 @!p0 $0xFFFFC000;
	s7 =	simm.s32 @!p0 $0x13F80  }
0x90: {  	[spmem:s3] =	stream.indirect.scatter.add.f32 @!p0 [tilespmem:s11], [sflag:$0x4], $0x80, s7, s9, $0xb8;
	[tilespmem:$0x1C000] =	vst v63  }
0x91: {  	_ =	swait.ge @!p0 [sflag:s6], $0x4000  }
0x92: {  	s7 =	rddreg [dreg:$0x7];
	[sflag:s6] =	ssyncset.done @!p0 $0x0  }
0x93: {  	[sflag:s6] =	ssyncadd.s32 @!p0 $0xFFFFC000;
	s6 =	sadd.s32 @!p0 s18, s7;
	s7 =	simm.s32 @!p0 $0x13F00  }
0x94: {  	[tilespmem:s7], [sflag:$0x8] =	stream.linear.gather @!p0 [hbm4b:s6+s8], $0x100, $0x38;
	[tilespmem:$0x1C000] =	vst v63  }
0x95: {  	_ =	swait.ge [sflag:s22], $0x100  }
0x96: {  	[sflag:s22] =	ssyncset.done $0x0  }
0x97: {  	[sflag:s22] =	ssyncadd.s32 $0xFFFFFF00  }
0x98: {  	[tilespmem:s24], [sflag:$0x2] =	stream.indirect.gather [hbm4b:s1+s23], $0x80, s19, s23, $0xb8;
	[tilespmem:$0x1C000] =	vst v63  }
0x99: {  	_ =	swait.ge [sflag:s25], $0x4000  }
0x9a: {  	[sflag:s25] =	ssyncset.done $0x0  }
0x9b: {  	p2 =	seq.s32 s2, $0x0;
	s9 =	rddreg [dreg:$0x9];
	[sflag:s25] =	ssyncadd.s32 $0xFFFFC000  }
0x9c: {  	[spmem:s3] =	stream.indirect.scatter.add.f32 [tilespmem:s16], [sflag:$0x3], $0x80, s9, s23, $0xb8;
	[tilespmem:$0x1C000] =	vst v63  }
0x9d: {  	p0 =	por p2, p2;
	p2 =	seq.s32 s18, $0x980;
	_ =	swait.ge [sflag:s26], $0x4000  }
0x9e: {  	s7 =	simm.s32 @!p2 $0x0;
	s6 =	rddreg [dreg:$0x6];
	[sflag:s26] =	ssyncset.done $0x0  }
0x9f: {  	s8 =	simm.s32 @!p2 $0x13C00;
	[sflag:s26] =	ssyncadd.s32 $0xFFFFC000;
	s6 =	sadd.s32 @!p2 s18, s6  }
0xa0: {  	[tilespmem:s8], [sflag:$0x5] =	stream.linear.gather @!p2 [hbm4b:s6+s7], $0x100, $0x38;
	[tilespmem:$0x1C000] =	vst v63  }
0xa1: {  	_ =	swait.ge [sflag:s28], $0x100  }
0xa2: {  	[sflag:s28] =	ssyncset.done $0x0  }
0xa3: {  	[sflag:s28] =	ssyncadd.s32 $0xFFFFFF00  }
0xa4: {  	[tilespmem:s16], [sflag:$0x1] =	stream.indirect.gather [hbm4b:s1+s23], $0x80, s20, s23, $0xb8;
	[tilespmem:$0x1C000] =	vst v63  }
0xa5: {  	_ =	swait.ge [sflag:s29], $0x4000  }
0xa6: {  	[sflag:s29] =	ssyncset.done $0x0  }
0xa7: {  	s11 =	rddreg [dreg:$0xa];
	[sflag:s29] =	ssyncadd.s32 $0xFFFFC000  }
0xa8: {  	[spmem:s3] =	stream.indirect.scatter.add.f32 [tilespmem:s24], [sflag:$0x4], $0x80, s11, s23, $0xb8;
	[tilespmem:$0x1C000] =	vst v63  }
0xa9: {  	_ =	swait.ge [sflag:s30], $0x4000  }
0xaa: {  	s6 =	rddreg [dreg:$0x5];
	[sflag:s30] =	ssyncset.done $0x0  }
0xab: {  	s8 =	simm.s32 @!p2 $0x13D00;
	[sflag:s30] =	ssyncadd.s32 $0xFFFFC000;
	s6 =	sadd.s32 @!p2 s18, s6  }
0xac: {  	[tilespmem:s8], [sflag:$0x6] =	stream.linear.gather @!p2 [hbm4b:s6+s7], $0x100, $0x38;
	[tilespmem:$0x1C000] =	vst v63  }
0xad: {  	s0 =	smov.u32 s2;
	s2 =	sadd.s32 $0x80, s2;
	_ =	swait.ge [sflag:s31], $0x100  }
0xae: {  	p1 =	sne.s32 s2, $0xA00;
	[sflag:s31] =	ssyncset.done $0x0  }
.Ltmp1:
0xaf: {  	[sflag:s31] =	ssyncadd.s32 $0xFFFFFF00;
	(pc) =	sbr.rel @p1 .LBB2_4-.Ltmp1, $4  }
0xb0: {  	[tilespmem:s24], [sflag:$0x2] =	stream.indirect.gather [hbm4b:s1+s23], $0x80, s21, s23, $0xb8;
	[tilespmem:$0x1C000] =	vst v63  }
0xb1: {  	_ =	swait.ge [sflag:s25], $0x4000  }
0xb2: {  	[sflag:s25] =	ssyncset.done $0x0  }
0xb3: {  	s18 =	smov.u32 s0;
	s6 =	rddreg [dreg:$0xb];
	[sflag:s25] =	ssyncadd.s32 $0xFFFFC000  }
0xb4: {  	s0 =	simm.s32 @p0 $0x5  }
0xb5: {  	[spmem:s3] =	stream.indirect.scatter.add.f32 [tilespmem:s16], [sflag:$0x3], $0x80, s6, s23, $0xb8;
	[tilespmem:$0x1C000] =	vst v63  }
0xb6: {  	_ =	swait.ge @p0 [sflag:s0], $0x100  }
0xb7: {  	s2 =	simm.s32 @p0 $0x14000;
	s6 =	simm.s32 @!p0 $0x3;
	[sflag:s0] =	ssyncset.done @p0 $0x0  }
0xb8: {  	s7 =	simm.s32 @p0 $0x13C00;
	[sflag:s0] =	ssyncadd.s32 @p0 $0xFFFFFF00;
	s0 =	simm.s32 @p0 $0x80  }
0xb9: {  	[tilespmem:s2], [sflag:$0x1] =	stream.indirect.gather @p0 [hbm4b:s1+s0], $0x80, s7, s0, $0xb8;
	[tilespmem:$0x1C000] =	vst v63  }
0xba: {  	s2 =	simm.s32 @!p0 $0x13E00;
	_ =	swait.ge @!p0 [sflag:s6], $0x4000  }
0xbb: {  	s7 =	simm.s32 @!p0 $0x5;
	s0 =	rddreg [dreg:$0x8];
	[sflag:s6] =	ssyncset.done @!p0 $0x0  }
0xbc: {  	[sflag:s6] =	ssyncadd.s32 @!p0 $0xFFFFC000;
	s0 =	sadd.s32 @!p0 s18, s0;
	s6 =	simm.s32 @!p0 $0x0  }
0xbd: {  	[tilespmem:s2], [sflag:$0x7] =	stream.linear.gather @!p0 [hbm4b:s0+s6], $0x100, $0x38;
	[tilespmem:$0x1C000] =	vst v63  }
0xbe: {  	_ =	swait.ge @!p0 [sflag:s7], $0x100  }
0xbf: {  	s0 =	simm.s32 @!p0 $0x14000;
	[sflag:s7] =	ssyncset.done @!p0 $0x0  }
0xc0: {  	s2 =	simm.s32 @!p0 $0x80;
	[sflag:s7] =	ssyncadd.s32 @!p0 $0xFFFFFF00;
	s7 =	simm.s32 @!p0 $0x13C00  }
0xc1: {  	[tilespmem:s0], [sflag:$0x1] =	stream.indirect.gather @!p0 [hbm4b:s1+s2], $0x80, s7, s2, $0xb8;
	[tilespmem:$0x1C000] =	vst v63  }
0xc2: {  	s0 =	simm.s32 @!p0 $0x2  }
0xc3: {  	_ =	swait.ge @!p0 [sflag:s0], $0x4000  }
0xc4: {  	[sflag:s0] =	ssyncset.done @!p0 $0x0  }
0xc5: {  	s7 =	simm.s32 @!p0 $0x18000;
	[sflag:s0] =	ssyncadd.s32 @!p0 $0xFFFFC000;
	s0 =	simm.s32 @!p0 $0x13F80  }
0xc6: {  	[spmem:s3] =	stream.indirect.scatter.add.f32 @!p0 [tilespmem:s7], [sflag:$0x4], $0x80, s0, s2, $0xb8;
	[tilespmem:$0x1C000] =	vst v63  }
0xc7: {  	s0 =	simm.s32 @!p0 $0x4  }
0xc8: {  	_ =	swait.ge @!p0 [sflag:s0], $0x4000  }
0xc9: {  	s2 =	rddreg [dreg:$0x7];
	[sflag:s0] =	ssyncset.done @!p0 $0x0  }
0xca: {  	[sflag:s0] =	ssyncadd.s32 @!p0 $0xFFFFC000;
	s0 =	sadd.s32 @!p0 s18, s2;
	s2 =	simm.s32 @!p0 $0x13F00  }
0xcb: {  	[tilespmem:s2], [sflag:$0x8] =	stream.linear.gather @!p0 [hbm4b:s0+s6], $0x100, $0x38;
	[tilespmem:$0x1C000] =	vst v63  }
0xcc: {  	_ =	swait.ge [sflag:s22], $0x100  }
0xcd: {  	[sflag:s22] =	ssyncset.done $0x0  }
0xce: {  	[sflag:s22] =	ssyncadd.s32 $0xFFFFFF00  }
0xcf: {  	[tilespmem:s24], [sflag:$0x2] =	stream.indirect.gather [hbm4b:s1+s23], $0x80, s19, s23, $0xb8;
	[tilespmem:$0x1C000] =	vst v63  }
0xd0: {  	_ =	swait.ge [sflag:s25], $0x4000  }
0xd1: {  	[sflag:s25] =	ssyncset.done $0x0  }
0xd2: {  	s6 =	rddreg [dreg:$0x9];
	[sflag:s25] =	ssyncadd.s32 $0xFFFFC000  }
0xd3: {  	[spmem:s3] =	stream.indirect.scatter.add.f32 [tilespmem:s16], [sflag:$0x3], $0x80, s6, s23, $0xb8;
	[tilespmem:$0x1C000] =	vst v63  }
0xd4: {  	p0 =	seq.s32 s18, $0x980;
	_ =	swait.ge [sflag:s26], $0x4000  }
0xd5: {  	s2 =	simm.s32 @!p0 $0x0;
	s0 =	rddreg [dreg:$0x6];
	[sflag:s26] =	ssyncset.done $0x0  }
0xd6: {  	s6 =	simm.s32 @!p0 $0x13C00;
	[sflag:s26] =	ssyncadd.s32 $0xFFFFC000;
	s0 =	sadd.s32 @!p0 s18, s0  }
0xd7: {  	[tilespmem:s6], [sflag:$0x5] =	stream.linear.gather @!p0 [hbm4b:s0+s2], $0x100, $0x38;
	[tilespmem:$0x1C000] =	vst v63  }
0xd8: {  	_ =	swait.ge [sflag:s28], $0x100  }
0xd9: {  	[sflag:s28] =	ssyncset.done $0x0  }
0xda: {  	[sflag:s28] =	ssyncadd.s32 $0xFFFFFF00  }
0xdb: {  	[tilespmem:s16], [sflag:$0x1] =	stream.indirect.gather [hbm4b:s1+s23], $0x80, s20, s23, $0xb8;
	[tilespmem:$0x1C000] =	vst v63  }
0xdc: {  	_ =	swait.ge [sflag:s29], $0x4000  }
0xdd: {  	[sflag:s29] =	ssyncset.done $0x0  }
0xde: {  	s7 =	rddreg [dreg:$0xa];
	[sflag:s29] =	ssyncadd.s32 $0xFFFFC000  }
0xdf: {  	[spmem:s3] =	stream.indirect.scatter.add.f32 [tilespmem:s24], [sflag:$0x4], $0x80, s7, s23, $0xb8;
	[tilespmem:$0x1C000] =	vst v63  }
0xe0: {  	_ =	swait.ge [sflag:s30], $0x4000  }
0xe1: {  	s0 =	rddreg [dreg:$0x5];
	[sflag:s30] =	ssyncset.done $0x0  }
0xe2: {  	s6 =	simm.s32 @!p0 $0x13D00;
	[sflag:s30] =	ssyncadd.s32 $0xFFFFC000;
	s0 =	sadd.s32 @!p0 s18, s0  }
0xe3: {  	[tilespmem:s6], [sflag:$0x6] =	stream.linear.gather @!p0 [hbm4b:s0+s2], $0x100, $0x38;
	[tilespmem:$0x1C000] =	vst v63  }
0xe4: {  	_ =	swait.ge [sflag:s31], $0x100  }
0xe5: {  	[sflag:s31] =	ssyncset.done $0x0  }
0xe6: {  	[sflag:s31] =	ssyncadd.s32 $0xFFFFFF00  }
0xe7: {  	[tilespmem:s24], [sflag:$0x2] =	stream.indirect.gather [hbm4b:s1+s23], $0x80, s21, s23, $0xb8;
	[tilespmem:$0x1C000] =	vst v63  }
0xe8: {  	_ =	swait.ge [sflag:s25], $0x4000  }
0xe9: {  	[sflag:s25] =	ssyncset.done $0x0  }
0xea: {  	s8 =	rddreg [dreg:$0xb];
	[sflag:s25] =	ssyncadd.s32 $0xFFFFC000  }
0xeb: {  	[spmem:s3] =	stream.indirect.scatter.add.f32 [tilespmem:s16], [sflag:$0x3], $0x80, s8, s23, $0xb8;
	[tilespmem:$0x1C000] =	vst v63  }
0xec: {  	_ =	swait.ge [sflag:s29], $0x4000  }
0xed: {  	[sflag:s29] =	ssyncset.done $0x0  }
0xee: {  	s9 =	simm.s32 $0x13F80;
	[sflag:s29] =	ssyncadd.s32 $0xFFFFC000  }
0xef: {  	[spmem:s3] =	stream.indirect.scatter.add.f32 [tilespmem:s24], [sflag:$0x4], $0x80, s9, s23, $0xb8;
	[tilespmem:$0x1C000] =	vst v63  }
0xf0: {  	_ =	swait.ge [sflag:s26], $0x4000  }
0xf1: {  	[sflag:s26] =	ssyncset.done $0x0  }
0xf2: {  	[sflag:s26] =	ssyncadd.s32 $0xFFFFC000  }
0xf3: {  	s11 =	stileid.u32;
	_ =	swait.ge [sflag:s30], $0x4000  }
0xf4: {  	s4 =	sadd.s32 $0x1, s4;
	s18 =	sshrl.u32 s5, $0x3;
	[sflag:s30] =	ssyncset.done $0x0  }
0xf5: {  	s0 =	sshll.u32 s11, $0x6;
	p0 =	sne.s32 s4, s15;
	[sflag:s30] =	ssyncadd.s32 $0xFFFFC000  }
.Ltmp2:
0xf6: {  	s0 =	sor.u32 $0x1C09, s0;
	[bflag:$0x0] =	sbarrier.arrive $0xFFFF;
	(pc) =	sbr.rel @p0 .LBB2_1-.Ltmp2, $4  }
0xf7: {  	[hbm:s14], [sflag:s0] =	dma.local [spmem:s18], $0x2780  }
0xf8: {  	_ =	swait.ge [sflag:s17], $0x2780  }
0xf9: {  	[sflag:s17] =	ssyncset.done $0x0  }
0xfa: {  	[sflag:s17] =	ssyncadd.s32 $0xFFFFD880  }
0xfb: {  	_ =	sfence.sel $0x180000  }
0xfc: {  	[bflag:$0x0] =	sbarrier.arrive $0xFFFF  }
0xfd: {  	_ =	strace $0x90000047  }
0xfe: {  	s0 =	stileid.u32;
	[bflag:$0x2] =	sbarrier.arrive $0xFFFF  }
0xff: {  	p0 =	sne.s32 s0, $0x0;
	s0 =	rddreg [dreg:$0x4]  }
0x100: {  	s0 =	sadd.s32 @!p0 $0x100000, s0  }
0x101: {  	[sflag:s0] =	ssyncadd.tile.s32 @!p0 $0x1;
	_ =	shalt  }
.Lfunc_end2:
_tile_overlayer_lowered:
.L_overlay_start_2:
0x102: {  	(tag) =	ssettag $0x2  }
0x103: {  	s0 =	rddreg [dreg:$0x0];
	s2 =	stileid.u32  }
0x104: {  	s1 =	rddreg [dreg:$0x1];
	p0 =	sne.s32 s2, $0x0  }
0x105: {  	s3 =	rddreg [dreg:$0x2];
	[bflag:$0x3] =	sbarrier.arrive $0xFFFF;
	s2 =	simm.s32 @!p0 $0x1C09  }
0x106: {  	[timem:s3], [sflag:s2] =	dma.local @!p0 [hbm:s0], s1  }
0x107: {  	s0 =	simm.s32 @!p0 $0x9  }
0x108: {  	_ =	swait.ge @!p0 [sflag:s0], s1  }
0x109: {  	s1 =	ssub.s32 @!p0 $0x0, s1;
	[sflag:s0] =	ssyncset.done @!p0 $0x0  }
0x10a: {  	[sflag:s0] =	ssyncadd.s32 @!p0 s1  }
0x10b: {  	[bflag:$0x3] =	sbarrier.arrive $0xFFFF  }
0x10c: {  	_ =	shalt  }

</sc_bundles>
